<compile_context>
chip_gen: v7x
topology: tpu7x:2x2x1
jax: 0.10.2.dev20260603
libtpu: 0.0.44.dev20260713+nightly
codegen_flags: <defaults>
</compile_context>

<pallas_src>
import functools

import jax
import jax.numpy as jnp
from jax import lax
from jax.experimental import pallas as pl
from jax.experimental.pallas import tpu as pltpu
from jax.experimental.pallas import tpu_sc as plsc

N = 10000
D = 128
E = 320000

NC = 2
NS = 16
NT = NC * NS
EPT = E // NT
C = 100
NCH = EPT // C
RPT_A = 632
RPT_B = N - (NS - 1) * RPT_A


NBUF = 3
IB = 4


def _agg_body(h_hbm, zeros_hbm, src_hbm, dst_hbm, out_hbm,
              acc, src_v, dst_v, rows, isems, gsems):
    cid = lax.axis_index("core")
    sid = lax.axis_index("subcore")
    t = cid * NS + sid

    row0 = sid * RPT_A
    init_src = [h_hbm, zeros_hbm]
    for c in range(NC):
        @pl.when((cid == c) & (sid < NS - 1))
        def _(src=init_src[c]):
            pltpu.sync_copy(src.at[pl.ds(row0, RPT_A)],
                            acc.at[pl.ds(row0, RPT_A)])

        @pl.when((cid == c) & (sid == NS - 1))
        def _(src=init_src[c]):
            pltpu.sync_copy(src.at[pl.ds(row0, RPT_B)],
                            acc.at[pl.ds(row0, RPT_B)])

    plsc.subcore_barrier()

    def _load_idx(ch, slot):
        pltpu.async_copy(src_hbm.at[t, ch], src_v.at[slot], isems.at[slot])
        pltpu.async_copy(dst_hbm.at[t, ch], dst_v.at[slot], isems.at[slot])

    def _wait_idx(ch, slot):
        pltpu.make_async_copy(src_hbm.at[t, ch], src_v.at[slot],
                              isems.at[slot]).wait()
        pltpu.make_async_copy(dst_hbm.at[t, ch], dst_v.at[slot],
                              isems.at[slot]).wait()

    def _start_gather(ch, slot, b):
        pltpu.async_copy(h_hbm.at[src_v.at[slot]], rows.at[b],
                         gsems.at[b])

    for i in range(IB):
        _load_idx(i, i)
    for b in range(NBUF):
        _wait_idx(b, b)
        _start_gather(b, b, b)

    @pl.loop(0, NCH, step=NBUF)
    def _(base):
        for b in range(NBUF):
            ch = base + b

            @pl.when(ch < NCH)
            def _():
                slot = ch % IB
                pltpu.make_async_copy(h_hbm.at[src_v.at[slot]],
                                      rows.at[b], gsems.at[b]).wait()
                pltpu.sync_copy(rows.at[b], acc.at[dst_v.at[slot]],
                                add=True)

                @pl.when(ch + IB < NCH)
                def _():
                    _load_idx(ch + IB, slot)

                @pl.when(ch + NBUF < NCH)
                def _():
                    nslot = (ch + NBUF) % IB
                    _wait_idx(ch + NBUF, nslot)
                    _start_gather(ch + NBUF, nslot, b)

    plsc.subcore_barrier()

    @pl.when(sid < NS - 1)
    def _():
        pltpu.sync_copy(acc.at[pl.ds(row0, RPT_A)],
                        out_hbm.at[cid, pl.ds(row0, RPT_A)])

    @pl.when(sid == NS - 1)
    def _():
        pltpu.sync_copy(acc.at[pl.ds(row0, RPT_B)],
                        out_hbm.at[cid, pl.ds(row0, RPT_B)])


@jax.jit
def _aggregate(h, zeros, src3, dst3):
    mesh = plsc.VectorSubcoreMesh(core_axis_name="core",
                                  subcore_axis_name="subcore")
    return pl.kernel(
        _agg_body,
        out_type=jax.ShapeDtypeStruct((NC, N, D), jnp.float32),
        mesh=mesh,
        scratch_types=[
            pltpu.VMEM_SHARED((N, D), jnp.float32),
            pltpu.VMEM((IB, C), jnp.int32),
            pltpu.VMEM((IB, C), jnp.int32),
            pltpu.VMEM((NBUF, C, D), jnp.float32),
            pltpu.SemaphoreType.DMA((IB,)),
            pltpu.SemaphoreType.DMA((NBUF,)),
        ],
    )(h, zeros, src3, dst3)


def _dense_body(final_relu, decode, refs):
    if decode:
        (p_ref, wa_ref, ba_ref, g_ref, b_ref, wb_ref, bb_ref,
         dw_ref, db_ref, h_ref, o_ref) = refs
    else:
        (p_ref, wa_ref, ba_ref, g_ref, b_ref, wb_ref, bb_ref, h_ref) = refs
    z = p_ref[0] + p_ref[1]
    h1 = jnp.dot(z, wa_ref[...], preferred_element_type=jnp.float32)
    h1 = h1 + ba_ref[...]
    m = jnp.mean(h1, axis=0, keepdims=True)
    v = jnp.mean((h1 - m) ** 2, axis=0, keepdims=True)
    hn = (h1 - m) * lax.rsqrt(v + 1e-5) * g_ref[...] + b_ref[...]
    hn = jnp.maximum(hn, 0.0)
    h2 = jnp.dot(hn, wb_ref[...], preferred_element_type=jnp.float32)
    h2 = h2 + bb_ref[...]
    if final_relu:
        h2 = jnp.maximum(h2, 0.0)
    h_ref[...] = h2
    if decode:
        o_ref[...] = (jnp.dot(h2, dw_ref[...],
                              preferred_element_type=jnp.float32)
                      + db_ref[...])


def _dense(parts, Wa, ba, g, b, Wb, bb, final_relu):
    def body(*refs):
        _dense_body(final_relu, False, refs)
    return pl.pallas_call(
        body,
        out_shape=jax.ShapeDtypeStruct((N, Wb.shape[1]), jnp.float32),
    )(parts, Wa, ba.reshape(1, -1), g.reshape(1, -1), b.reshape(1, -1),
      Wb, bb.reshape(1, -1))


def _dense_decode(parts, Wa, ba, g, b, Wb, bb, dec_W, dec_b):
    def body(*refs):
        _dense_body(False, True, refs)
    return pl.pallas_call(
        body,
        out_shape=[jax.ShapeDtypeStruct((N, Wb.shape[1]), jnp.float32),
                   jax.ShapeDtypeStruct((N, 1), jnp.float32)],
    )(parts, Wa, ba.reshape(1, -1), g.reshape(1, -1), b.reshape(1, -1),
      Wb, bb.reshape(1, -1), dec_W, dec_b.reshape(1, -1))


def kernel(x, edge_index,
           l0_Wa, l0_ba, l0_g, l0_b, l0_Wb, l0_bb,
           l1_Wa, l1_ba, l1_g, l1_b, l1_Wb, l1_bb,
           l2_Wa, l2_ba, l2_g, l2_b, l2_Wb, l2_bb,
           dec_W, dec_b):
    src3 = edge_index[0].astype(jnp.int32).reshape(NT, NCH, C)
    dst3 = edge_index[1].astype(jnp.int32).reshape(NT, NCH, C)
    zeros = jnp.zeros((N, D), jnp.float32)

    h = x
    for Wa, ba, g, b, Wb, bb in [
        (l0_Wa, l0_ba, l0_g, l0_b, l0_Wb, l0_bb),
        (l1_Wa, l1_ba, l1_g, l1_b, l1_Wb, l1_bb),
    ]:
        parts = _aggregate(h, zeros, src3, dst3)
        h = _dense(parts, Wa, ba, g, b, Wb, bb, True)

    parts = _aggregate(h, zeros, src3, dst3)
    h, out = _dense_decode(parts, l2_Wa, l2_ba, l2_g, l2_b, l2_Wb, l2_bb,
                           dec_W, dec_b)
    return (out, h)

# --- scband reference (transcript-rebuilt; emitter-appended) ---
"""Pipeline reference for scband-gin-9405978378568 (READ-ONLY COPY).

The authoritative reference and input builder live on the scoring server;
editing this copy changes nothing except your own understanding.
"""

import jax, jax.numpy as jnp
import numpy as np

N = 10000
E = 320000
D = 128
HID = 128
EMB = 128
OUT = 1


def _bn(h, g, b):
    m = jnp.mean(h, axis=0)
    v = jnp.var(h, axis=0)
    return (h - m) / jnp.sqrt(v + 1e-5) * g + b


def _gin_layer(x, src, dst, Wa, ba, g, b, Wb, bb, final_relu):
    # GINConv with eps=0: nn((1+eps)*x + sum_{j in N(i)} x_j)
    agg = jax.ops.segment_sum(x[src], dst, num_segments=x.shape[0])
    z = x + agg
    h = jax.nn.relu(_bn(z @ Wa + ba, g, b))
    h = h @ Wb + bb
    return jax.nn.relu(h) if final_relu else h


def setup_inputs(seed: int = 0) -> dict:
    key = jax.random.key(seed)
    ks = jax.random.split(key, 20)
    inp = {}
    inp["x"] = jax.random.normal(ks[0], (N, D), dtype=jnp.float32)
    inp["edge_index"] = jax.random.randint(ks[1], (2, E), 0, N).astype(jnp.int64)
    dims = [(D, HID, HID), (HID, HID, HID), (HID, HID, EMB)]
    i = 2
    for li, (din, dh, dout) in enumerate(dims):
        inp[f"l{li}_Wa"] = jax.random.normal(ks[i], (din, dh), dtype=jnp.float32) * 0.05; i += 1
        inp[f"l{li}_ba"] = jnp.zeros((dh,), dtype=jnp.float32)
        inp[f"l{li}_g"] = jnp.ones((dh,), dtype=jnp.float32)
        inp[f"l{li}_b"] = jnp.zeros((dh,), dtype=jnp.float32)
        inp[f"l{li}_Wb"] = jax.random.normal(ks[i], (dh, dout), dtype=jnp.float32) * 0.05; i += 1
        inp[f"l{li}_bb"] = jnp.zeros((dout,), dtype=jnp.float32)
    inp["dec_W"] = jax.random.normal(ks[i], (EMB, OUT), dtype=jnp.float32) * 0.05
    inp["dec_b"] = jnp.zeros((OUT,), dtype=jnp.float32)
    return inp


def reference(x, edge_index,
              l0_Wa, l0_ba, l0_g, l0_b, l0_Wb, l0_bb,
              l1_Wa, l1_ba, l1_g, l1_b, l1_Wb, l1_bb,
              l2_Wa, l2_ba, l2_g, l2_b, l2_Wb, l2_bb,
              dec_W, dec_b):
    src = edge_index[0]
    dst = edge_index[1]
    h = _gin_layer(x, src, dst, l0_Wa, l0_ba, l0_g, l0_b, l0_Wb, l0_bb, True)
    h = _gin_layer(h, src, dst, l1_Wa, l1_ba, l1_g, l1_b, l1_Wb, l1_bb, True)
    h = _gin_layer(h, src, dst, l2_Wa, l2_ba, l2_g, l2_b, l2_Wb, l2_bb, False)
    out = h @ dec_W + dec_b
    return (out, h)

if __name__ == "__main__":
    import jax
    _d = setup_inputs()
    print(jax.jit(kernel)(*tuple(_d.values())))

</pallas_src>

<mosaic_0001>
#map = affine_map<(d0, d1) -> (0, 0)>
#map1 = affine_map<(d0, d1) -> (0, 0, 0)>
module attributes {stable_mosaic.version = 14 : i64} {
  func.func @_agg_body(%arg0: i32, %arg1: i32, %arg2: memref<10000x128xf32, #tpu.memory_space<hbm>>, %arg3: memref<10000x128xf32, #tpu.memory_space<hbm>>, %arg4: memref<32x100x100xi32, #tpu.memory_space<hbm>>, %arg5: memref<32x100x100xi32, #tpu.memory_space<hbm>>, %arg6: memref<2x10000x128xf32, #tpu.memory_space<hbm>>, %arg7: memref<10000x128xf32, #tpu.memory_space<vmem_shared>>, %arg8: memref<4x100xi32, #tpu.memory_space<vmem>>, %arg9: memref<4x100xi32, #tpu.memory_space<vmem>>, %arg10: memref<3x100x128xf32, #tpu.memory_space<vmem>>, %arg11: memref<4x!tpu.dma_semaphore, #tpu.memory_space<semaphore_mem>>, %arg12: memref<3x!tpu.dma_semaphore, #tpu.memory_space<semaphore_mem>>) attributes {dimension_semantics = [#tpu.dimension_semantics<core_parallel>, #tpu.dimension_semantics<subcore_parallel>], iteration_bounds = array<i64: 2, 16>, scalar_prefetch = 0 : i64, scratch_operands = 6 : i64, tpu.core_type = #tpu.core_type<sc_vector_subcore>, window_params = [{transform_indices = #map}, {transform_indices = #map}, {transform_indices = #map1}, {transform_indices = #map1}, {transform_indices = #map1}]} {
    %mul3A = arith.constant 16 : i32
    %mul3A_0 = arith.muli %arg0, %mul3A : i32
    %add3A = arith.addi %mul3A_0, %arg1 : i32
    %mul3A_1 = arith.constant 632 : i32
    %mul3A_2 = arith.muli %arg1, %mul3A_1 : i32
    %eq3A = arith.constant 0 : i32
    %eq3A_3 = arith.cmpi eq, %arg0, %eq3A : i32
    %lt3A = arith.constant 15 : i32
    %lt3A_4 = arith.cmpi slt, %arg1, %lt3A : i32
    %and3A = arith.andi %eq3A_3, %lt3A_4 : i1
    %convert_element_type3A = arith.extui %and3A : i1 to i32
    %cond3A = arith.constant 0 : i32
    %cond3A_5 = arith.cmpi ne, %convert_element_type3A, %cond3A : i32
    scf.if %cond3A_5 {
      "tpu.region"() ({
        %run_scoped3A = tpu.sem_alloc : memref<!tpu.dma_semaphore, #tpu.memory_space<semaphore_mem>>
        %dma_start3A_326 = arith.constant 0 : i32
        %dma_start3A_327 = tpu.memref_slice %arg7[%mul3A_2, %dma_start3A_326] : memref<10000x128xf32, #tpu.memory_space<vmem_shared>> -> memref<632x128xf32, #tpu.memory_space<vmem_shared>>
        %dma_start3A_328 = arith.constant 0 : i32
        %dma_start3A_329 = tpu.memref_slice %arg2[%mul3A_2, %dma_start3A_328] : memref<10000x128xf32, #tpu.memory_space<hbm>> -> memref<632x128xf32, #tpu.memory_space<hbm>>
        tpu.enqueue_dma source(%dma_start3A_329 : memref<632x128xf32, #tpu.memory_space<hbm>>) target(%dma_start3A_327 : memref<632x128xf32, #tpu.memory_space<vmem_shared>>) target_semaphore(%run_scoped3A : memref<!tpu.dma_semaphore, #tpu.memory_space<semaphore_mem>>)
        %dma_wait3A_330 = arith.constant 0 : i32
        %dma_wait3A_331 = tpu.memref_slice %arg7[%mul3A_2, %dma_wait3A_330] : memref<10000x128xf32, #tpu.memory_space<vmem_shared>> -> memref<632x128xf32, #tpu.memory_space<vmem_shared>>
        %dma_wait3A_332 = arith.constant 0 : i32
        %dma_wait3A_333 = tpu.memref_slice %arg2[%mul3A_2, %dma_wait3A_332] : memref<10000x128xf32, #tpu.memory_space<hbm>> -> memref<632x128xf32, #tpu.memory_space<hbm>>
        tpu.wait_dma2 semaphore(%run_scoped3A : memref<!tpu.dma_semaphore, #tpu.memory_space<semaphore_mem>>) src(%dma_wait3A_333 : memref<632x128xf32, #tpu.memory_space<hbm>>) dst(%dma_wait3A_331 : memref<632x128xf32, #tpu.memory_space<vmem_shared>>)
        tpu.yield
      }) : () -> ()
    } else {
    }
    %eq3A_6 = arith.constant 0 : i32
    %eq3A_7 = arith.cmpi eq, %arg0, %eq3A_6 : i32
    %eq3A_8 = arith.constant 15 : i32
    %eq3A_9 = arith.cmpi eq, %arg1, %eq3A_8 : i32
    %and3A_10 = arith.andi %eq3A_7, %eq3A_9 : i1
    %convert_element_type3A_11 = arith.extui %and3A_10 : i1 to i32
    %cond3A_12 = arith.constant 0 : i32
    %cond3A_13 = arith.cmpi ne, %convert_element_type3A_11, %cond3A_12 : i32
    scf.if %cond3A_13 {
      "tpu.region"() ({
        %run_scoped3A = tpu.sem_alloc : memref<!tpu.dma_semaphore, #tpu.memory_space<semaphore_mem>>
        %dma_start3A_326 = arith.constant 0 : i32
        %dma_start3A_327 = tpu.memref_slice %arg7[%mul3A_2, %dma_start3A_326] : memref<10000x128xf32, #tpu.memory_space<vmem_shared>> -> memref<520x128xf32, #tpu.memory_space<vmem_shared>>
        %dma_start3A_328 = arith.constant 0 : i32
        %dma_start3A_329 = tpu.memref_slice %arg2[%mul3A_2, %dma_start3A_328] : memref<10000x128xf32, #tpu.memory_space<hbm>> -> memref<520x128xf32, #tpu.memory_space<hbm>>
        tpu.enqueue_dma source(%dma_start3A_329 : memref<520x128xf32, #tpu.memory_space<hbm>>) target(%dma_start3A_327 : memref<520x128xf32, #tpu.memory_space<vmem_shared>>) target_semaphore(%run_scoped3A : memref<!tpu.dma_semaphore, #tpu.memory_space<semaphore_mem>>)
        %dma_wait3A_330 = arith.constant 0 : i32
        %dma_wait3A_331 = tpu.memref_slice %arg7[%mul3A_2, %dma_wait3A_330] : memref<10000x128xf32, #tpu.memory_space<vmem_shared>> -> memref<520x128xf32, #tpu.memory_space<vmem_shared>>
        %dma_wait3A_332 = arith.constant 0 : i32
        %dma_wait3A_333 = tpu.memref_slice %arg2[%mul3A_2, %dma_wait3A_332] : memref<10000x128xf32, #tpu.memory_space<hbm>> -> memref<520x128xf32, #tpu.memory_space<hbm>>
        tpu.wait_dma2 semaphore(%run_scoped3A : memref<!tpu.dma_semaphore, #tpu.memory_space<semaphore_mem>>) src(%dma_wait3A_333 : memref<520x128xf32, #tpu.memory_space<hbm>>) dst(%dma_wait3A_331 : memref<520x128xf32, #tpu.memory_space<vmem_shared>>)
        tpu.yield
      }) : () -> ()
    } else {
    }
    %eq3A_14 = arith.constant 1 : i32
    %eq3A_15 = arith.cmpi eq, %arg0, %eq3A_14 : i32
    %lt3A_16 = arith.constant 15 : i32
    %lt3A_17 = arith.cmpi slt, %arg1, %lt3A_16 : i32
    %and3A_18 = arith.andi %eq3A_15, %lt3A_17 : i1
    %convert_element_type3A_19 = arith.extui %and3A_18 : i1 to i32
    %cond3A_20 = arith.constant 0 : i32
    %cond3A_21 = arith.cmpi ne, %convert_element_type3A_19, %cond3A_20 : i32
    scf.if %cond3A_21 {
      "tpu.region"() ({
        %run_scoped3A = tpu.sem_alloc : memref<!tpu.dma_semaphore, #tpu.memory_space<semaphore_mem>>
        %dma_start3A_326 = arith.constant 0 : i32
        %dma_start3A_327 = tpu.memref_slice %arg7[%mul3A_2, %dma_start3A_326] : memref<10000x128xf32, #tpu.memory_space<vmem_shared>> -> memref<632x128xf32, #tpu.memory_space<vmem_shared>>
        %dma_start3A_328 = arith.constant 0 : i32
        %dma_start3A_329 = tpu.memref_slice %arg3[%mul3A_2, %dma_start3A_328] : memref<10000x128xf32, #tpu.memory_space<hbm>> -> memref<632x128xf32, #tpu.memory_space<hbm>>
        tpu.enqueue_dma source(%dma_start3A_329 : memref<632x128xf32, #tpu.memory_space<hbm>>) target(%dma_start3A_327 : memref<632x128xf32, #tpu.memory_space<vmem_shared>>) target_semaphore(%run_scoped3A : memref<!tpu.dma_semaphore, #tpu.memory_space<semaphore_mem>>)
        %dma_wait3A_330 = arith.constant 0 : i32
        %dma_wait3A_331 = tpu.memref_slice %arg7[%mul3A_2, %dma_wait3A_330] : memref<10000x128xf32, #tpu.memory_space<vmem_shared>> -> memref<632x128xf32, #tpu.memory_space<vmem_shared>>
        %dma_wait3A_332 = arith.constant 0 : i32
        %dma_wait3A_333 = tpu.memref_slice %arg3[%mul3A_2, %dma_wait3A_332] : memref<10000x128xf32, #tpu.memory_space<hbm>> -> memref<632x128xf32, #tpu.memory_space<hbm>>
        tpu.wait_dma2 semaphore(%run_scoped3A : memref<!tpu.dma_semaphore, #tpu.memory_space<semaphore_mem>>) src(%dma_wait3A_333 : memref<632x128xf32, #tpu.memory_space<hbm>>) dst(%dma_wait3A_331 : memref<632x128xf32, #tpu.memory_space<vmem_shared>>)
        tpu.yield
      }) : () -> ()
    } else {
    }
    %eq3A_22 = arith.constant 1 : i32
    %eq3A_23 = arith.cmpi eq, %arg0, %eq3A_22 : i32
    %eq3A_24 = arith.constant 15 : i32
    %eq3A_25 = arith.cmpi eq, %arg1, %eq3A_24 : i32
    %and3A_26 = arith.andi %eq3A_23, %eq3A_25 : i1
    %convert_element_type3A_27 = arith.extui %and3A_26 : i1 to i32
    %cond3A_28 = arith.constant 0 : i32
    %cond3A_29 = arith.cmpi ne, %convert_element_type3A_27, %cond3A_28 : i32
    scf.if %cond3A_29 {
      "tpu.region"() ({
        %run_scoped3A = tpu.sem_alloc : memref<!tpu.dma_semaphore, #tpu.memory_space<semaphore_mem>>
        %dma_start3A_326 = arith.constant 0 : i32
        %dma_start3A_327 = tpu.memref_slice %arg7[%mul3A_2, %dma_start3A_326] : memref<10000x128xf32, #tpu.memory_space<vmem_shared>> -> memref<520x128xf32, #tpu.memory_space<vmem_shared>>
        %dma_start3A_328 = arith.constant 0 : i32
        %dma_start3A_329 = tpu.memref_slice %arg3[%mul3A_2, %dma_start3A_328] : memref<10000x128xf32, #tpu.memory_space<hbm>> -> memref<520x128xf32, #tpu.memory_space<hbm>>
        tpu.enqueue_dma source(%dma_start3A_329 : memref<520x128xf32, #tpu.memory_space<hbm>>) target(%dma_start3A_327 : memref<520x128xf32, #tpu.memory_space<vmem_shared>>) target_semaphore(%run_scoped3A : memref<!tpu.dma_semaphore, #tpu.memory_space<semaphore_mem>>)
        %dma_wait3A_330 = arith.constant 0 : i32
        %dma_wait3A_331 = tpu.memref_slice %arg7[%mul3A_2, %dma_wait3A_330] : memref<10000x128xf32, #tpu.memory_space<vmem_shared>> -> memref<520x128xf32, #tpu.memory_space<vmem_shared>>
        %dma_wait3A_332 = arith.constant 0 : i32
        %dma_wait3A_333 = tpu.memref_slice %arg3[%mul3A_2, %dma_wait3A_332] : memref<10000x128xf32, #tpu.memory_space<hbm>> -> memref<520x128xf32, #tpu.memory_space<hbm>>
        tpu.wait_dma2 semaphore(%run_scoped3A : memref<!tpu.dma_semaphore, #tpu.memory_space<semaphore_mem>>) src(%dma_wait3A_333 : memref<520x128xf32, #tpu.memory_space<hbm>>) dst(%dma_wait3A_331 : memref<520x128xf32, #tpu.memory_space<vmem_shared>>)
        tpu.yield
      }) : () -> ()
    } else {
    }
    %barrier3A = arith.constant 0 : index
    tpu.barrier barrier_id(%barrier3A)
    %dma_start3A = arith.constant 0 : i32
    %dma_start3A_30 = arith.constant 0 : i32
    %dma_start3A_31 = arith.constant 0 : i32
    %dma_start3A_32 = arith.constant 0 : i32
    %dma_start3A_33 = tpu.memref_slice %arg8[%dma_start3A_30, %dma_start3A_32] : memref<4x100xi32, #tpu.memory_space<vmem>> -> memref<1x100xi32, #tpu.memory_space<vmem>>
    %dma_start3A_34 = tpu.memref_squeeze %dma_start3A_33 : memref<1x100xi32, #tpu.memory_space<vmem>> -> memref<100xi32, #tpu.memory_space<vmem>>
    %dma_start3A_35 = arith.constant 0 : i32
    %dma_start3A_36 = tpu.memref_slice %arg4[%add3A, %dma_start3A, %dma_start3A_35] : memref<32x100x100xi32, #tpu.memory_space<hbm>> -> memref<1x1x100xi32, #tpu.memory_space<hbm>>
    %dma_start3A_37 = tpu.memref_squeeze %dma_start3A_36 : memref<1x1x100xi32, #tpu.memory_space<hbm>> -> memref<100xi32, #tpu.memory_space<hbm>>
    %dma_start3A_38 = tpu.memref_slice %arg11[%dma_start3A_31] : memref<4x!tpu.dma_semaphore, #tpu.memory_space<semaphore_mem>> -> memref<1x!tpu.dma_semaphore, #tpu.memory_space<semaphore_mem>>
    %dma_start3A_39 = tpu.memref_squeeze %dma_start3A_38 : memref<1x!tpu.dma_semaphore, #tpu.memory_space<semaphore_mem>> -> memref<!tpu.dma_semaphore, #tpu.memory_space<semaphore_mem>>
    %dma_start3A_40 = arith.constant 0 : i32
    %dma_start3A_41 = tpu.memref_slice %arg8[%dma_start3A_30, %dma_start3A_40] : memref<4x100xi32, #tpu.memory_space<vmem>> -> memref<1x100xi32, #tpu.memory_space<vmem>>
    %dma_start3A_42 = tpu.memref_squeeze %dma_start3A_41 : memref<1x100xi32, #tpu.memory_space<vmem>> -> memref<100xi32, #tpu.memory_space<vmem>>
    %dma_start3A_43 = arith.constant 0 : i32
    %dma_start3A_44 = tpu.memref_slice %arg4[%add3A, %dma_start3A, %dma_start3A_43] : memref<32x100x100xi32, #tpu.memory_space<hbm>> -> memref<1x1x100xi32, #tpu.memory_space<hbm>>
    %dma_start3A_45 = tpu.memref_squeeze %dma_start3A_44 : memref<1x1x100xi32, #tpu.memory_space<hbm>> -> memref<100xi32, #tpu.memory_space<hbm>>
    tpu.enqueue_dma source(%dma_start3A_45 : memref<100xi32, #tpu.memory_space<hbm>>) target(%dma_start3A_42 : memref<100xi32, #tpu.memory_space<vmem>>) target_semaphore(%dma_start3A_39 : memref<!tpu.dma_semaphore, #tpu.memory_space<semaphore_mem>>)
    %dma_start3A_46 = arith.constant 0 : i32
    %dma_start3A_47 = arith.constant 0 : i32
    %dma_start3A_48 = arith.constant 0 : i32
    %dma_start3A_49 = arith.constant 0 : i32
    %dma_start3A_50 = tpu.memref_slice %arg9[%dma_start3A_47, %dma_start3A_49] : memref<4x100xi32, #tpu.memory_space<vmem>> -> memref<1x100xi32, #tpu.memory_space<vmem>>
    %dma_start3A_51 = tpu.memref_squeeze %dma_start3A_50 : memref<1x100xi32, #tpu.memory_space<vmem>> -> memref<100xi32, #tpu.memory_space<vmem>>
    %dma_start3A_52 = arith.constant 0 : i32
    %dma_start3A_53 = tpu.memref_slice %arg5[%add3A, %dma_start3A_46, %dma_start3A_52] : memref<32x100x100xi32, #tpu.memory_space<hbm>> -> memref<1x1x100xi32, #tpu.memory_space<hbm>>
    %dma_start3A_54 = tpu.memref_squeeze %dma_start3A_53 : memref<1x1x100xi32, #tpu.memory_space<hbm>> -> memref<100xi32, #tpu.memory_space<hbm>>
    %dma_start3A_55 = tpu.memref_slice %arg11[%dma_start3A_48] : memref<4x!tpu.dma_semaphore, #tpu.memory_space<semaphore_mem>> -> memref<1x!tpu.dma_semaphore, #tpu.memory_space<semaphore_mem>>
    %dma_start3A_56 = tpu.memref_squeeze %dma_start3A_55 : memref<1x!tpu.dma_semaphore, #tpu.memory_space<semaphore_mem>> -> memref<!tpu.dma_semaphore, #tpu.memory_space<semaphore_mem>>
    %dma_start3A_57 = arith.constant 0 : i32
    %dma_start3A_58 = tpu.memref_slice %arg9[%dma_start3A_47, %dma_start3A_57] : memref<4x100xi32, #tpu.memory_space<vmem>> -> memref<1x100xi32, #tpu.memory_space<vmem>>
    %dma_start3A_59 = tpu.memref_squeeze %dma_start3A_58 : memref<1x100xi32, #tpu.memory_space<vmem>> -> memref<100xi32, #tpu.memory_space<vmem>>
    %dma_start3A_60 = arith.constant 0 : i32
    %dma_start3A_61 = tpu.memref_slice %arg5[%add3A, %dma_start3A_46, %dma_start3A_60] : memref<32x100x100xi32, #tpu.memory_space<hbm>> -> memref<1x1x100xi32, #tpu.memory_space<hbm>>
    %dma_start3A_62 = tpu.memref_squeeze %dma_start3A_61 : memref<1x1x100xi32, #tpu.memory_space<hbm>> -> memref<100xi32, #tpu.memory_space<hbm>>
    tpu.enqueue_dma source(%dma_start3A_62 : memref<100xi32, #tpu.memory_space<hbm>>) target(%dma_start3A_59 : memref<100xi32, #tpu.memory_space<vmem>>) target_semaphore(%dma_start3A_56 : memref<!tpu.dma_semaphore, #tpu.memory_space<semaphore_mem>>)
    %dma_start3A_63 = arith.constant 1 : i32
    %dma_start3A_64 = arith.constant 1 : i32
    %dma_start3A_65 = arith.constant 1 : i32
    %dma_start3A_66 = arith.constant 0 : i32
    %dma_start3A_67 = tpu.memref_slice %arg8[%dma_start3A_64, %dma_start3A_66] : memref<4x100xi32, #tpu.memory_space<vmem>> -> memref<1x100xi32, #tpu.memory_space<vmem>>
    %dma_start3A_68 = tpu.memref_squeeze %dma_start3A_67 : memref<1x100xi32, #tpu.memory_space<vmem>> -> memref<100xi32, #tpu.memory_space<vmem>>
    %dma_start3A_69 = arith.constant 0 : i32
    %dma_start3A_70 = tpu.memref_slice %arg4[%add3A, %dma_start3A_63, %dma_start3A_69] : memref<32x100x100xi32, #tpu.memory_space<hbm>> -> memref<1x1x100xi32, #tpu.memory_space<hbm>>
    %dma_start3A_71 = tpu.memref_squeeze %dma_start3A_70 : memref<1x1x100xi32, #tpu.memory_space<hbm>> -> memref<100xi32, #tpu.memory_space<hbm>>
    %dma_start3A_72 = tpu.memref_slice %arg11[%dma_start3A_65] : memref<4x!tpu.dma_semaphore, #tpu.memory_space<semaphore_mem>> -> memref<1x!tpu.dma_semaphore, #tpu.memory_space<semaphore_mem>>
    %dma_start3A_73 = tpu.memref_squeeze %dma_start3A_72 : memref<1x!tpu.dma_semaphore, #tpu.memory_space<semaphore_mem>> -> memref<!tpu.dma_semaphore, #tpu.memory_space<semaphore_mem>>
    %dma_start3A_74 = arith.constant 0 : i32
    %dma_start3A_75 = tpu.memref_slice %arg8[%dma_start3A_64, %dma_start3A_74] : memref<4x100xi32, #tpu.memory_space<vmem>> -> memref<1x100xi32, #tpu.memory_space<vmem>>
    %dma_start3A_76 = tpu.memref_squeeze %dma_start3A_75 : memref<1x100xi32, #tpu.memory_space<vmem>> -> memref<100xi32, #tpu.memory_space<vmem>>
    %dma_start3A_77 = arith.constant 0 : i32
    %dma_start3A_78 = tpu.memref_slice %arg4[%add3A, %dma_start3A_63, %dma_start3A_77] : memref<32x100x100xi32, #tpu.memory_space<hbm>> -> memref<1x1x100xi32, #tpu.memory_space<hbm>>
    %dma_start3A_79 = tpu.memref_squeeze %dma_start3A_78 : memref<1x1x100xi32, #tpu.memory_space<hbm>> -> memref<100xi32, #tpu.memory_space<hbm>>
    tpu.enqueue_dma source(%dma_start3A_79 : memref<100xi32, #tpu.memory_space<hbm>>) target(%dma_start3A_76 : memref<100xi32, #tpu.memory_space<vmem>>) target_semaphore(%dma_start3A_73 : memref<!tpu.dma_semaphore, #tpu.memory_space<semaphore_mem>>)
    %dma_start3A_80 = arith.constant 1 : i32
    %dma_start3A_81 = arith.constant 1 : i32
    %dma_start3A_82 = arith.constant 1 : i32
    %dma_start3A_83 = arith.constant 0 : i32
    %dma_start3A_84 = tpu.memref_slice %arg9[%dma_start3A_81, %dma_start3A_83] : memref<4x100xi32, #tpu.memory_space<vmem>> -> memref<1x100xi32, #tpu.memory_space<vmem>>
    %dma_start3A_85 = tpu.memref_squeeze %dma_start3A_84 : memref<1x100xi32, #tpu.memory_space<vmem>> -> memref<100xi32, #tpu.memory_space<vmem>>
    %dma_start3A_86 = arith.constant 0 : i32
    %dma_start3A_87 = tpu.memref_slice %arg5[%add3A, %dma_start3A_80, %dma_start3A_86] : memref<32x100x100xi32, #tpu.memory_space<hbm>> -> memref<1x1x100xi32, #tpu.memory_space<hbm>>
    %dma_start3A_88 = tpu.memref_squeeze %dma_start3A_87 : memref<1x1x100xi32, #tpu.memory_space<hbm>> -> memref<100xi32, #tpu.memory_space<hbm>>
    %dma_start3A_89 = tpu.memref_slice %arg11[%dma_start3A_82] : memref<4x!tpu.dma_semaphore, #tpu.memory_space<semaphore_mem>> -> memref<1x!tpu.dma_semaphore, #tpu.memory_space<semaphore_mem>>
    %dma_start3A_90 = tpu.memref_squeeze %dma_start3A_89 : memref<1x!tpu.dma_semaphore, #tpu.memory_space<semaphore_mem>> -> memref<!tpu.dma_semaphore, #tpu.memory_space<semaphore_mem>>
    %dma_start3A_91 = arith.constant 0 : i32
    %dma_start3A_92 = tpu.memref_slice %arg9[%dma_start3A_81, %dma_start3A_91] : memref<4x100xi32, #tpu.memory_space<vmem>> -> memref<1x100xi32, #tpu.memory_space<vmem>>
    %dma_start3A_93 = tpu.memref_squeeze %dma_start3A_92 : memref<1x100xi32, #tpu.memory_space<vmem>> -> memref<100xi32, #tpu.memory_space<vmem>>
    %dma_start3A_94 = arith.constant 0 : i32
    %dma_start3A_95 = tpu.memref_slice %arg5[%add3A, %dma_start3A_80, %dma_start3A_94] : memref<32x100x100xi32, #tpu.memory_space<hbm>> -> memref<1x1x100xi32, #tpu.memory_space<hbm>>
    %dma_start3A_96 = tpu.memref_squeeze %dma_start3A_95 : memref<1x1x100xi32, #tpu.memory_space<hbm>> -> memref<100xi32, #tpu.memory_space<hbm>>
    tpu.enqueue_dma source(%dma_start3A_96 : memref<100xi32, #tpu.memory_space<hbm>>) target(%dma_start3A_93 : memref<100xi32, #tpu.memory_space<vmem>>) target_semaphore(%dma_start3A_90 : memref<!tpu.dma_semaphore, #tpu.memory_space<semaphore_mem>>)
    %dma_start3A_97 = arith.constant 2 : i32
    %dma_start3A_98 = arith.constant 2 : i32
    %dma_start3A_99 = arith.constant 2 : i32
    %dma_start3A_100 = arith.constant 0 : i32
    %dma_start3A_101 = tpu.memref_slice %arg8[%dma_start3A_98, %dma_start3A_100] : memref<4x100xi32, #tpu.memory_space<vmem>> -> memref<1x100xi32, #tpu.memory_space<vmem>>
    %dma_start3A_102 = tpu.memref_squeeze %dma_start3A_101 : memref<1x100xi32, #tpu.memory_space<vmem>> -> memref<100xi32, #tpu.memory_space<vmem>>
    %dma_start3A_103 = arith.constant 0 : i32
    %dma_start3A_104 = tpu.memref_slice %arg4[%add3A, %dma_start3A_97, %dma_start3A_103] : memref<32x100x100xi32, #tpu.memory_space<hbm>> -> memref<1x1x100xi32, #tpu.memory_space<hbm>>
    %dma_start3A_105 = tpu.memref_squeeze %dma_start3A_104 : memref<1x1x100xi32, #tpu.memory_space<hbm>> -> memref<100xi32, #tpu.memory_space<hbm>>
    %dma_start3A_106 = tpu.memref_slice %arg11[%dma_start3A_99] : memref<4x!tpu.dma_semaphore, #tpu.memory_space<semaphore_mem>> -> memref<1x!tpu.dma_semaphore, #tpu.memory_space<semaphore_mem>>
    %dma_start3A_107 = tpu.memref_squeeze %dma_start3A_106 : memref<1x!tpu.dma_semaphore, #tpu.memory_space<semaphore_mem>> -> memref<!tpu.dma_semaphore, #tpu.memory_space<semaphore_mem>>
    %dma_start3A_108 = arith.constant 0 : i32
    %dma_start3A_109 = tpu.memref_slice %arg8[%dma_start3A_98, %dma_start3A_108] : memref<4x100xi32, #tpu.memory_space<vmem>> -> memref<1x100xi32, #tpu.memory_space<vmem>>
    %dma_start3A_110 = tpu.memref_squeeze %dma_start3A_109 : memref<1x100xi32, #tpu.memory_space<vmem>> -> memref<100xi32, #tpu.memory_space<vmem>>
    %dma_start3A_111 = arith.constant 0 : i32
    %dma_start3A_112 = tpu.memref_slice %arg4[%add3A, %dma_start3A_97, %dma_start3A_111] : memref<32x100x100xi32, #tpu.memory_space<hbm>> -> memref<1x1x100xi32, #tpu.memory_space<hbm>>
    %dma_start3A_113 = tpu.memref_squeeze %dma_start3A_112 : memref<1x1x100xi32, #tpu.memory_space<hbm>> -> memref<100xi32, #tpu.memory_space<hbm>>
    tpu.enqueue_dma source(%dma_start3A_113 : memref<100xi32, #tpu.memory_space<hbm>>) target(%dma_start3A_110 : memref<100xi32, #tpu.memory_space<vmem>>) target_semaphore(%dma_start3A_107 : memref<!tpu.dma_semaphore, #tpu.memory_space<semaphore_mem>>)
    %dma_start3A_114 = arith.constant 2 : i32
    %dma_start3A_115 = arith.constant 2 : i32
    %dma_start3A_116 = arith.constant 2 : i32
    %dma_start3A_117 = arith.constant 0 : i32
    %dma_start3A_118 = tpu.memref_slice %arg9[%dma_start3A_115, %dma_start3A_117] : memref<4x100xi32, #tpu.memory_space<vmem>> -> memref<1x100xi32, #tpu.memory_space<vmem>>
    %dma_start3A_119 = tpu.memref_squeeze %dma_start3A_118 : memref<1x100xi32, #tpu.memory_space<vmem>> -> memref<100xi32, #tpu.memory_space<vmem>>
    %dma_start3A_120 = arith.constant 0 : i32
    %dma_start3A_121 = tpu.memref_slice %arg5[%add3A, %dma_start3A_114, %dma_start3A_120] : memref<32x100x100xi32, #tpu.memory_space<hbm>> -> memref<1x1x100xi32, #tpu.memory_space<hbm>>
    %dma_start3A_122 = tpu.memref_squeeze %dma_start3A_121 : memref<1x1x100xi32, #tpu.memory_space<hbm>> -> memref<100xi32, #tpu.memory_space<hbm>>
    %dma_start3A_123 = tpu.memref_slice %arg11[%dma_start3A_116] : memref<4x!tpu.dma_semaphore, #tpu.memory_space<semaphore_mem>> -> memref<1x!tpu.dma_semaphore, #tpu.memory_space<semaphore_mem>>
    %dma_start3A_124 = tpu.memref_squeeze %dma_start3A_123 : memref<1x!tpu.dma_semaphore, #tpu.memory_space<semaphore_mem>> -> memref<!tpu.dma_semaphore, #tpu.memory_space<semaphore_mem>>
    %dma_start3A_125 = arith.constant 0 : i32
    %dma_start3A_126 = tpu.memref_slice %arg9[%dma_start3A_115, %dma_start3A_125] : memref<4x100xi32, #tpu.memory_space<vmem>> -> memref<1x100xi32, #tpu.memory_space<vmem>>
    %dma_start3A_127 = tpu.memref_squeeze %dma_start3A_126 : memref<1x100xi32, #tpu.memory_space<vmem>> -> memref<100xi32, #tpu.memory_space<vmem>>
    %dma_start3A_128 = arith.constant 0 : i32
    %dma_start3A_129 = tpu.memref_slice %arg5[%add3A, %dma_start3A_114, %dma_start3A_128] : memref<32x100x100xi32, #tpu.memory_space<hbm>> -> memref<1x1x100xi32, #tpu.memory_space<hbm>>
    %dma_start3A_130 = tpu.memref_squeeze %dma_start3A_129 : memref<1x1x100xi32, #tpu.memory_space<hbm>> -> memref<100xi32, #tpu.memory_space<hbm>>
    tpu.enqueue_dma source(%dma_start3A_130 : memref<100xi32, #tpu.memory_space<hbm>>) target(%dma_start3A_127 : memref<100xi32, #tpu.memory_space<vmem>>) target_semaphore(%dma_start3A_124 : memref<!tpu.dma_semaphore, #tpu.memory_space<semaphore_mem>>)
    %dma_start3A_131 = arith.constant 3 : i32
    %dma_start3A_132 = arith.constant 3 : i32
    %dma_start3A_133 = arith.constant 3 : i32
    %dma_start3A_134 = arith.constant 0 : i32
    %dma_start3A_135 = tpu.memref_slice %arg8[%dma_start3A_132, %dma_start3A_134] : memref<4x100xi32, #tpu.memory_space<vmem>> -> memref<1x100xi32, #tpu.memory_space<vmem>>
    %dma_start3A_136 = tpu.memref_squeeze %dma_start3A_135 : memref<1x100xi32, #tpu.memory_space<vmem>> -> memref<100xi32, #tpu.memory_space<vmem>>
    %dma_start3A_137 = arith.constant 0 : i32
    %dma_start3A_138 = tpu.memref_slice %arg4[%add3A, %dma_start3A_131, %dma_start3A_137] : memref<32x100x100xi32, #tpu.memory_space<hbm>> -> memref<1x1x100xi32, #tpu.memory_space<hbm>>
    %dma_start3A_139 = tpu.memref_squeeze %dma_start3A_138 : memref<1x1x100xi32, #tpu.memory_space<hbm>> -> memref<100xi32, #tpu.memory_space<hbm>>
    %dma_start3A_140 = tpu.memref_slice %arg11[%dma_start3A_133] : memref<4x!tpu.dma_semaphore, #tpu.memory_space<semaphore_mem>> -> memref<1x!tpu.dma_semaphore, #tpu.memory_space<semaphore_mem>>
    %dma_start3A_141 = tpu.memref_squeeze %dma_start3A_140 : memref<1x!tpu.dma_semaphore, #tpu.memory_space<semaphore_mem>> -> memref<!tpu.dma_semaphore, #tpu.memory_space<semaphore_mem>>
    %dma_start3A_142 = arith.constant 0 : i32
    %dma_start3A_143 = tpu.memref_slice %arg8[%dma_start3A_132, %dma_start3A_142] : memref<4x100xi32, #tpu.memory_space<vmem>> -> memref<1x100xi32, #tpu.memory_space<vmem>>
    %dma_start3A_144 = tpu.memref_squeeze %dma_start3A_143 : memref<1x100xi32, #tpu.memory_space<vmem>> -> memref<100xi32, #tpu.memory_space<vmem>>
    %dma_start3A_145 = arith.constant 0 : i32
    %dma_start3A_146 = tpu.memref_slice %arg4[%add3A, %dma_start3A_131, %dma_start3A_145] : memref<32x100x100xi32, #tpu.memory_space<hbm>> -> memref<1x1x100xi32, #tpu.memory_space<hbm>>
    %dma_start3A_147 = tpu.memref_squeeze %dma_start3A_146 : memref<1x1x100xi32, #tpu.memory_space<hbm>> -> memref<100xi32, #tpu.memory_space<hbm>>
    tpu.enqueue_dma source(%dma_start3A_147 : memref<100xi32, #tpu.memory_space<hbm>>) target(%dma_start3A_144 : memref<100xi32, #tpu.memory_space<vmem>>) target_semaphore(%dma_start3A_141 : memref<!tpu.dma_semaphore, #tpu.memory_space<semaphore_mem>>)
    %dma_start3A_148 = arith.constant 3 : i32
    %dma_start3A_149 = arith.constant 3 : i32
    %dma_start3A_150 = arith.constant 3 : i32
    %dma_start3A_151 = arith.constant 0 : i32
    %dma_start3A_152 = tpu.memref_slice %arg9[%dma_start3A_149, %dma_start3A_151] : memref<4x100xi32, #tpu.memory_space<vmem>> -> memref<1x100xi32, #tpu.memory_space<vmem>>
    %dma_start3A_153 = tpu.memref_squeeze %dma_start3A_152 : memref<1x100xi32, #tpu.memory_space<vmem>> -> memref<100xi32, #tpu.memory_space<vmem>>
    %dma_start3A_154 = arith.constant 0 : i32
    %dma_start3A_155 = tpu.memref_slice %arg5[%add3A, %dma_start3A_148, %dma_start3A_154] : memref<32x100x100xi32, #tpu.memory_space<hbm>> -> memref<1x1x100xi32, #tpu.memory_space<hbm>>
    %dma_start3A_156 = tpu.memref_squeeze %dma_start3A_155 : memref<1x1x100xi32, #tpu.memory_space<hbm>> -> memref<100xi32, #tpu.memory_space<hbm>>
    %dma_start3A_157 = tpu.memref_slice %arg11[%dma_start3A_150] : memref<4x!tpu.dma_semaphore, #tpu.memory_space<semaphore_mem>> -> memref<1x!tpu.dma_semaphore, #tpu.memory_space<semaphore_mem>>
    %dma_start3A_158 = tpu.memref_squeeze %dma_start3A_157 : memref<1x!tpu.dma_semaphore, #tpu.memory_space<semaphore_mem>> -> memref<!tpu.dma_semaphore, #tpu.memory_space<semaphore_mem>>
    %dma_start3A_159 = arith.constant 0 : i32
    %dma_start3A_160 = tpu.memref_slice %arg9[%dma_start3A_149, %dma_start3A_159] : memref<4x100xi32, #tpu.memory_space<vmem>> -> memref<1x100xi32, #tpu.memory_space<vmem>>
    %dma_start3A_161 = tpu.memref_squeeze %dma_start3A_160 : memref<1x100xi32, #tpu.memory_space<vmem>> -> memref<100xi32, #tpu.memory_space<vmem>>
    %dma_start3A_162 = arith.constant 0 : i32
    %dma_start3A_163 = tpu.memref_slice %arg5[%add3A, %dma_start3A_148, %dma_start3A_162] : memref<32x100x100xi32, #tpu.memory_space<hbm>> -> memref<1x1x100xi32, #tpu.memory_space<hbm>>
    %dma_start3A_164 = tpu.memref_squeeze %dma_start3A_163 : memref<1x1x100xi32, #tpu.memory_space<hbm>> -> memref<100xi32, #tpu.memory_space<hbm>>
    tpu.enqueue_dma source(%dma_start3A_164 : memref<100xi32, #tpu.memory_space<hbm>>) target(%dma_start3A_161 : memref<100xi32, #tpu.memory_space<vmem>>) target_semaphore(%dma_start3A_158 : memref<!tpu.dma_semaphore, #tpu.memory_space<semaphore_mem>>)
    %dma_wait3A = arith.constant 0 : i32
    %dma_wait3A_165 = arith.constant 0 : i32
    %dma_wait3A_166 = arith.constant 0 : i32
    %dma_wait3A_167 = arith.constant 0 : i32
    %dma_wait3A_168 = tpu.memref_slice %arg8[%dma_wait3A_165, %dma_wait3A_167] : memref<4x100xi32, #tpu.memory_space<vmem>> -> memref<1x100xi32, #tpu.memory_space<vmem>>
    %dma_wait3A_169 = tpu.memref_squeeze %dma_wait3A_168 : memref<1x100xi32, #tpu.memory_space<vmem>> -> memref<100xi32, #tpu.memory_space<vmem>>
    %dma_wait3A_170 = arith.constant 0 : i32
    %dma_wait3A_171 = tpu.memref_slice %arg4[%add3A, %dma_wait3A, %dma_wait3A_170] : memref<32x100x100xi32, #tpu.memory_space<hbm>> -> memref<1x1x100xi32, #tpu.memory_space<hbm>>
    %dma_wait3A_172 = tpu.memref_squeeze %dma_wait3A_171 : memref<1x1x100xi32, #tpu.memory_space<hbm>> -> memref<100xi32, #tpu.memory_space<hbm>>
    %dma_wait3A_173 = tpu.memref_slice %arg11[%dma_wait3A_166] : memref<4x!tpu.dma_semaphore, #tpu.memory_space<semaphore_mem>> -> memref<1x!tpu.dma_semaphore, #tpu.memory_space<semaphore_mem>>
    %dma_wait3A_174 = tpu.memref_squeeze %dma_wait3A_173 : memref<1x!tpu.dma_semaphore, #tpu.memory_space<semaphore_mem>> -> memref<!tpu.dma_semaphore, #tpu.memory_space<semaphore_mem>>
    %dma_wait3A_175 = arith.constant 0 : i32
    %dma_wait3A_176 = tpu.memref_slice %arg8[%dma_wait3A_165, %dma_wait3A_175] : memref<4x100xi32, #tpu.memory_space<vmem>> -> memref<1x100xi32, #tpu.memory_space<vmem>>
    %dma_wait3A_177 = tpu.memref_squeeze %dma_wait3A_176 : memref<1x100xi32, #tpu.memory_space<vmem>> -> memref<100xi32, #tpu.memory_space<vmem>>
    %dma_wait3A_178 = arith.constant 0 : i32
    %dma_wait3A_179 = tpu.memref_slice %arg4[%add3A, %dma_wait3A, %dma_wait3A_178] : memref<32x100x100xi32, #tpu.memory_space<hbm>> -> memref<1x1x100xi32, #tpu.memory_space<hbm>>
    %dma_wait3A_180 = tpu.memref_squeeze %dma_wait3A_179 : memref<1x1x100xi32, #tpu.memory_space<hbm>> -> memref<100xi32, #tpu.memory_space<hbm>>
    tpu.wait_dma2 semaphore(%dma_wait3A_174 : memref<!tpu.dma_semaphore, #tpu.memory_space<semaphore_mem>>) src(%dma_wait3A_180 : memref<100xi32, #tpu.memory_space<hbm>>) dst(%dma_wait3A_177 : memref<100xi32, #tpu.memory_space<vmem>>)
    %dma_wait3A_181 = arith.constant 0 : i32
    %dma_wait3A_182 = arith.constant 0 : i32
    %dma_wait3A_183 = arith.constant 0 : i32
    %dma_wait3A_184 = arith.constant 0 : i32
    %dma_wait3A_185 = tpu.memref_slice %arg9[%dma_wait3A_182, %dma_wait3A_184] : memref<4x100xi32, #tpu.memory_space<vmem>> -> memref<1x100xi32, #tpu.memory_space<vmem>>
    %dma_wait3A_186 = tpu.memref_squeeze %dma_wait3A_185 : memref<1x100xi32, #tpu.memory_space<vmem>> -> memref<100xi32, #tpu.memory_space<vmem>>
    %dma_wait3A_187 = arith.constant 0 : i32
    %dma_wait3A_188 = tpu.memref_slice %arg5[%add3A, %dma_wait3A_181, %dma_wait3A_187] : memref<32x100x100xi32, #tpu.memory_space<hbm>> -> memref<1x1x100xi32, #tpu.memory_space<hbm>>
    %dma_wait3A_189 = tpu.memref_squeeze %dma_wait3A_188 : memref<1x1x100xi32, #tpu.memory_space<hbm>> -> memref<100xi32, #tpu.memory_space<hbm>>
    %dma_wait3A_190 = tpu.memref_slice %arg11[%dma_wait3A_183] : memref<4x!tpu.dma_semaphore, #tpu.memory_space<semaphore_mem>> -> memref<1x!tpu.dma_semaphore, #tpu.memory_space<semaphore_mem>>
    %dma_wait3A_191 = tpu.memref_squeeze %dma_wait3A_190 : memref<1x!tpu.dma_semaphore, #tpu.memory_space<semaphore_mem>> -> memref<!tpu.dma_semaphore, #tpu.memory_space<semaphore_mem>>
    %dma_wait3A_192 = arith.constant 0 : i32
    %dma_wait3A_193 = tpu.memref_slice %arg9[%dma_wait3A_182, %dma_wait3A_192] : memref<4x100xi32, #tpu.memory_space<vmem>> -> memref<1x100xi32, #tpu.memory_space<vmem>>
    %dma_wait3A_194 = tpu.memref_squeeze %dma_wait3A_193 : memref<1x100xi32, #tpu.memory_space<vmem>> -> memref<100xi32, #tpu.memory_space<vmem>>
    %dma_wait3A_195 = arith.constant 0 : i32
    %dma_wait3A_196 = tpu.memref_slice %arg5[%add3A, %dma_wait3A_181, %dma_wait3A_195] : memref<32x100x100xi32, #tpu.memory_space<hbm>> -> memref<1x1x100xi32, #tpu.memory_space<hbm>>
    %dma_wait3A_197 = tpu.memref_squeeze %dma_wait3A_196 : memref<1x1x100xi32, #tpu.memory_space<hbm>> -> memref<100xi32, #tpu.memory_space<hbm>>
    tpu.wait_dma2 semaphore(%dma_wait3A_191 : memref<!tpu.dma_semaphore, #tpu.memory_space<semaphore_mem>>) src(%dma_wait3A_197 : memref<100xi32, #tpu.memory_space<hbm>>) dst(%dma_wait3A_194 : memref<100xi32, #tpu.memory_space<vmem>>)
    %dma_start3A_198 = arith.constant 0 : i32
    %dma_start3A_199 = arith.constant 0 : i32
    %dma_start3A_200 = arith.constant 0 : i32
    %dma_start3A_201 = arith.constant 0 : i32
    %dma_start3A_202 = arith.constant 0 : i32
    %dma_start3A_203 = tpu.memref_slice %arg10[%dma_start3A_199, %dma_start3A_201, %dma_start3A_202] : memref<3x100x128xf32, #tpu.memory_space<vmem>> -> memref<1x100x128xf32, #tpu.memory_space<vmem>>
    %dma_start3A_204 = tpu.memref_squeeze %dma_start3A_203 : memref<1x100x128xf32, #tpu.memory_space<vmem>> -> memref<100x128xf32, #tpu.memory_space<vmem>>
    %dma_start3A_205 = arith.constant 0 : i32
    %dma_start3A_206 = tpu.memref_slice %arg8[%dma_start3A_198, %dma_start3A_205] : memref<4x100xi32, #tpu.memory_space<vmem>> -> memref<1x100xi32, #tpu.memory_space<vmem>>
    %dma_start3A_207 = tpu.memref_squeeze %dma_start3A_206 : memref<1x100xi32, #tpu.memory_space<vmem>> -> memref<100xi32, #tpu.memory_space<vmem>>
    %dma_start3A_208 = arith.constant 0 : i32
    %dma_start3A_209 = arith.constant 0 : i32
    %dma_start3A_210 = tpu.memref_slice %arg2[%dma_start3A_208, %dma_start3A_209] : memref<10000x128xf32, #tpu.memory_space<hbm>> -> memref<10000x128xf32, #tpu.memory_space<hbm>>
    %dma_start3A_211 = tpu.memref_slice %arg12[%dma_start3A_200] : memref<3x!tpu.dma_semaphore, #tpu.memory_space<semaphore_mem>> -> memref<1x!tpu.dma_semaphore, #tpu.memory_space<semaphore_mem>>
    %dma_start3A_212 = tpu.memref_squeeze %dma_start3A_211 : memref<1x!tpu.dma_semaphore, #tpu.memory_space<semaphore_mem>> -> memref<!tpu.dma_semaphore, #tpu.memory_space<semaphore_mem>>
    tpu.enqueue_indirect_dma source(%dma_start3A_210 : memref<10000x128xf32, #tpu.memory_space<hbm>>) target(%dma_start3A_204 : memref<100x128xf32, #tpu.memory_space<vmem>>) offsets(%dma_start3A_207 : memref<100xi32, #tpu.memory_space<vmem>>) semaphore(%dma_start3A_212 : memref<!tpu.dma_semaphore, #tpu.memory_space<semaphore_mem>>)
    %dma_wait3A_213 = arith.constant 1 : i32
    %dma_wait3A_214 = arith.constant 1 : i32
    %dma_wait3A_215 = arith.constant 1 : i32
    %dma_wait3A_216 = arith.constant 0 : i32
    %dma_wait3A_217 = tpu.memref_slice %arg8[%dma_wait3A_214, %dma_wait3A_216] : memref<4x100xi32, #tpu.memory_space<vmem>> -> memref<1x100xi32, #tpu.memory_space<vmem>>
    %dma_wait3A_218 = tpu.memref_squeeze %dma_wait3A_217 : memref<1x100xi32, #tpu.memory_space<vmem>> -> memref<100xi32, #tpu.memory_space<vmem>>
    %dma_wait3A_219 = arith.constant 0 : i32
    %dma_wait3A_220 = tpu.memref_slice %arg4[%add3A, %dma_wait3A_213, %dma_wait3A_219] : memref<32x100x100xi32, #tpu.memory_space<hbm>> -> memref<1x1x100xi32, #tpu.memory_space<hbm>>
    %dma_wait3A_221 = tpu.memref_squeeze %dma_wait3A_220 : memref<1x1x100xi32, #tpu.memory_space<hbm>> -> memref<100xi32, #tpu.memory_space<hbm>>
    %dma_wait3A_222 = tpu.memref_slice %arg11[%dma_wait3A_215] : memref<4x!tpu.dma_semaphore, #tpu.memory_space<semaphore_mem>> -> memref<1x!tpu.dma_semaphore, #tpu.memory_space<semaphore_mem>>
    %dma_wait3A_223 = tpu.memref_squeeze %dma_wait3A_222 : memref<1x!tpu.dma_semaphore, #tpu.memory_space<semaphore_mem>> -> memref<!tpu.dma_semaphore, #tpu.memory_space<semaphore_mem>>
    %dma_wait3A_224 = arith.constant 0 : i32
    %dma_wait3A_225 = tpu.memref_slice %arg8[%dma_wait3A_214, %dma_wait3A_224] : memref<4x100xi32, #tpu.memory_space<vmem>> -> memref<1x100xi32, #tpu.memory_space<vmem>>
    %dma_wait3A_226 = tpu.memref_squeeze %dma_wait3A_225 : memref<1x100xi32, #tpu.memory_space<vmem>> -> memref<100xi32, #tpu.memory_space<vmem>>
    %dma_wait3A_227 = arith.constant 0 : i32
    %dma_wait3A_228 = tpu.memref_slice %arg4[%add3A, %dma_wait3A_213, %dma_wait3A_227] : memref<32x100x100xi32, #tpu.memory_space<hbm>> -> memref<1x1x100xi32, #tpu.memory_space<hbm>>
    %dma_wait3A_229 = tpu.memref_squeeze %dma_wait3A_228 : memref<1x1x100xi32, #tpu.memory_space<hbm>> -> memref<100xi32, #tpu.memory_space<hbm>>
    tpu.wait_dma2 semaphore(%dma_wait3A_223 : memref<!tpu.dma_semaphore, #tpu.memory_space<semaphore_mem>>) src(%dma_wait3A_229 : memref<100xi32, #tpu.memory_space<hbm>>) dst(%dma_wait3A_226 : memref<100xi32, #tpu.memory_space<vmem>>)
    %dma_wait3A_230 = arith.constant 1 : i32
    %dma_wait3A_231 = arith.constant 1 : i32
    %dma_wait3A_232 = arith.constant 1 : i32
    %dma_wait3A_233 = arith.constant 0 : i32
    %dma_wait3A_234 = tpu.memref_slice %arg9[%dma_wait3A_231, %dma_wait3A_233] : memref<4x100xi32, #tpu.memory_space<vmem>> -> memref<1x100xi32, #tpu.memory_space<vmem>>
    %dma_wait3A_235 = tpu.memref_squeeze %dma_wait3A_234 : memref<1x100xi32, #tpu.memory_space<vmem>> -> memref<100xi32, #tpu.memory_space<vmem>>
    %dma_wait3A_236 = arith.constant 0 : i32
    %dma_wait3A_237 = tpu.memref_slice %arg5[%add3A, %dma_wait3A_230, %dma_wait3A_236] : memref<32x100x100xi32, #tpu.memory_space<hbm>> -> memref<1x1x100xi32, #tpu.memory_space<hbm>>
    %dma_wait3A_238 = tpu.memref_squeeze %dma_wait3A_237 : memref<1x1x100xi32, #tpu.memory_space<hbm>> -> memref<100xi32, #tpu.memory_space<hbm>>
    %dma_wait3A_239 = tpu.memref_slice %arg11[%dma_wait3A_232] : memref<4x!tpu.dma_semaphore, #tpu.memory_space<semaphore_mem>> -> memref<1x!tpu.dma_semaphore, #tpu.memory_space<semaphore_mem>>
    %dma_wait3A_240 = tpu.memref_squeeze %dma_wait3A_239 : memref<1x!tpu.dma_semaphore, #tpu.memory_space<semaphore_mem>> -> memref<!tpu.dma_semaphore, #tpu.memory_space<semaphore_mem>>
    %dma_wait3A_241 = arith.constant 0 : i32
    %dma_wait3A_242 = tpu.memref_slice %arg9[%dma_wait3A_231, %dma_wait3A_241] : memref<4x100xi32, #tpu.memory_space<vmem>> -> memref<1x100xi32, #tpu.memory_space<vmem>>
    %dma_wait3A_243 = tpu.memref_squeeze %dma_wait3A_242 : memref<1x100xi32, #tpu.memory_space<vmem>> -> memref<100xi32, #tpu.memory_space<vmem>>
    %dma_wait3A_244 = arith.constant 0 : i32
    %dma_wait3A_245 = tpu.memref_slice %arg5[%add3A, %dma_wait3A_230, %dma_wait3A_244] : memref<32x100x100xi32, #tpu.memory_space<hbm>> -> memref<1x1x100xi32, #tpu.memory_space<hbm>>
    %dma_wait3A_246 = tpu.memref_squeeze %dma_wait3A_245 : memref<1x1x100xi32, #tpu.memory_space<hbm>> -> memref<100xi32, #tpu.memory_space<hbm>>
    tpu.wait_dma2 semaphore(%dma_wait3A_240 : memref<!tpu.dma_semaphore, #tpu.memory_space<semaphore_mem>>) src(%dma_wait3A_246 : memref<100xi32, #tpu.memory_space<hbm>>) dst(%dma_wait3A_243 : memref<100xi32, #tpu.memory_space<vmem>>)
    %dma_start3A_247 = arith.constant 1 : i32
    %dma_start3A_248 = arith.constant 1 : i32
    %dma_start3A_249 = arith.constant 1 : i32
    %dma_start3A_250 = arith.constant 0 : i32
    %dma_start3A_251 = arith.constant 0 : i32
    %dma_start3A_252 = tpu.memref_slice %arg10[%dma_start3A_248, %dma_start3A_250, %dma_start3A_251] : memref<3x100x128xf32, #tpu.memory_space<vmem>> -> memref<1x100x128xf32, #tpu.memory_space<vmem>>
    %dma_start3A_253 = tpu.memref_squeeze %dma_start3A_252 : memref<1x100x128xf32, #tpu.memory_space<vmem>> -> memref<100x128xf32, #tpu.memory_space<vmem>>
    %dma_start3A_254 = arith.constant 0 : i32
    %dma_start3A_255 = tpu.memref_slice %arg8[%dma_start3A_247, %dma_start3A_254] : memref<4x100xi32, #tpu.memory_space<vmem>> -> memref<1x100xi32, #tpu.memory_space<vmem>>
    %dma_start3A_256 = tpu.memref_squeeze %dma_start3A_255 : memref<1x100xi32, #tpu.memory_space<vmem>> -> memref<100xi32, #tpu.memory_space<vmem>>
    %dma_start3A_257 = arith.constant 0 : i32
    %dma_start3A_258 = arith.constant 0 : i32
    %dma_start3A_259 = tpu.memref_slice %arg2[%dma_start3A_257, %dma_start3A_258] : memref<10000x128xf32, #tpu.memory_space<hbm>> -> memref<10000x128xf32, #tpu.memory_space<hbm>>
    %dma_start3A_260 = tpu.memref_slice %arg12[%dma_start3A_249] : memref<3x!tpu.dma_semaphore, #tpu.memory_space<semaphore_mem>> -> memref<1x!tpu.dma_semaphore, #tpu.memory_space<semaphore_mem>>
    %dma_start3A_261 = tpu.memref_squeeze %dma_start3A_260 : memref<1x!tpu.dma_semaphore, #tpu.memory_space<semaphore_mem>> -> memref<!tpu.dma_semaphore, #tpu.memory_space<semaphore_mem>>
    tpu.enqueue_indirect_dma source(%dma_start3A_259 : memref<10000x128xf32, #tpu.memory_space<hbm>>) target(%dma_start3A_253 : memref<100x128xf32, #tpu.memory_space<vmem>>) offsets(%dma_start3A_256 : memref<100xi32, #tpu.memory_space<vmem>>) semaphore(%dma_start3A_261 : memref<!tpu.dma_semaphore, #tpu.memory_space<semaphore_mem>>)
    %dma_wait3A_262 = arith.constant 2 : i32
    %dma_wait3A_263 = arith.constant 2 : i32
    %dma_wait3A_264 = arith.constant 2 : i32
    %dma_wait3A_265 = arith.constant 0 : i32
    %dma_wait3A_266 = tpu.memref_slice %arg8[%dma_wait3A_263, %dma_wait3A_265] : memref<4x100xi32, #tpu.memory_space<vmem>> -> memref<1x100xi32, #tpu.memory_space<vmem>>
    %dma_wait3A_267 = tpu.memref_squeeze %dma_wait3A_266 : memref<1x100xi32, #tpu.memory_space<vmem>> -> memref<100xi32, #tpu.memory_space<vmem>>
    %dma_wait3A_268 = arith.constant 0 : i32
    %dma_wait3A_269 = tpu.memref_slice %arg4[%add3A, %dma_wait3A_262, %dma_wait3A_268] : memref<32x100x100xi32, #tpu.memory_space<hbm>> -> memref<1x1x100xi32, #tpu.memory_space<hbm>>
    %dma_wait3A_270 = tpu.memref_squeeze %dma_wait3A_269 : memref<1x1x100xi32, #tpu.memory_space<hbm>> -> memref<100xi32, #tpu.memory_space<hbm>>
    %dma_wait3A_271 = tpu.memref_slice %arg11[%dma_wait3A_264] : memref<4x!tpu.dma_semaphore, #tpu.memory_space<semaphore_mem>> -> memref<1x!tpu.dma_semaphore, #tpu.memory_space<semaphore_mem>>
    %dma_wait3A_272 = tpu.memref_squeeze %dma_wait3A_271 : memref<1x!tpu.dma_semaphore, #tpu.memory_space<semaphore_mem>> -> memref<!tpu.dma_semaphore, #tpu.memory_space<semaphore_mem>>
    %dma_wait3A_273 = arith.constant 0 : i32
    %dma_wait3A_274 = tpu.memref_slice %arg8[%dma_wait3A_263, %dma_wait3A_273] : memref<4x100xi32, #tpu.memory_space<vmem>> -> memref<1x100xi32, #tpu.memory_space<vmem>>
    %dma_wait3A_275 = tpu.memref_squeeze %dma_wait3A_274 : memref<1x100xi32, #tpu.memory_space<vmem>> -> memref<100xi32, #tpu.memory_space<vmem>>
    %dma_wait3A_276 = arith.constant 0 : i32
    %dma_wait3A_277 = tpu.memref_slice %arg4[%add3A, %dma_wait3A_262, %dma_wait3A_276] : memref<32x100x100xi32, #tpu.memory_space<hbm>> -> memref<1x1x100xi32, #tpu.memory_space<hbm>>
    %dma_wait3A_278 = tpu.memref_squeeze %dma_wait3A_277 : memref<1x1x100xi32, #tpu.memory_space<hbm>> -> memref<100xi32, #tpu.memory_space<hbm>>
    tpu.wait_dma2 semaphore(%dma_wait3A_272 : memref<!tpu.dma_semaphore, #tpu.memory_space<semaphore_mem>>) src(%dma_wait3A_278 : memref<100xi32, #tpu.memory_space<hbm>>) dst(%dma_wait3A_275 : memref<100xi32, #tpu.memory_space<vmem>>)
    %dma_wait3A_279 = arith.constant 2 : i32
    %dma_wait3A_280 = arith.constant 2 : i32
    %dma_wait3A_281 = arith.constant 2 : i32
    %dma_wait3A_282 = arith.constant 0 : i32
    %dma_wait3A_283 = tpu.memref_slice %arg9[%dma_wait3A_280, %dma_wait3A_282] : memref<4x100xi32, #tpu.memory_space<vmem>> -> memref<1x100xi32, #tpu.memory_space<vmem>>
    %dma_wait3A_284 = tpu.memref_squeeze %dma_wait3A_283 : memref<1x100xi32, #tpu.memory_space<vmem>> -> memref<100xi32, #tpu.memory_space<vmem>>
    %dma_wait3A_285 = arith.constant 0 : i32
    %dma_wait3A_286 = tpu.memref_slice %arg5[%add3A, %dma_wait3A_279, %dma_wait3A_285] : memref<32x100x100xi32, #tpu.memory_space<hbm>> -> memref<1x1x100xi32, #tpu.memory_space<hbm>>
    %dma_wait3A_287 = tpu.memref_squeeze %dma_wait3A_286 : memref<1x1x100xi32, #tpu.memory_space<hbm>> -> memref<100xi32, #tpu.memory_space<hbm>>
    %dma_wait3A_288 = tpu.memref_slice %arg11[%dma_wait3A_281] : memref<4x!tpu.dma_semaphore, #tpu.memory_space<semaphore_mem>> -> memref<1x!tpu.dma_semaphore, #tpu.memory_space<semaphore_mem>>
    %dma_wait3A_289 = tpu.memref_squeeze %dma_wait3A_288 : memref<1x!tpu.dma_semaphore, #tpu.memory_space<semaphore_mem>> -> memref<!tpu.dma_semaphore, #tpu.memory_space<semaphore_mem>>
    %dma_wait3A_290 = arith.constant 0 : i32
    %dma_wait3A_291 = tpu.memref_slice %arg9[%dma_wait3A_280, %dma_wait3A_290] : memref<4x100xi32, #tpu.memory_space<vmem>> -> memref<1x100xi32, #tpu.memory_space<vmem>>
    %dma_wait3A_292 = tpu.memref_squeeze %dma_wait3A_291 : memref<1x100xi32, #tpu.memory_space<vmem>> -> memref<100xi32, #tpu.memory_space<vmem>>
    %dma_wait3A_293 = arith.constant 0 : i32
    %dma_wait3A_294 = tpu.memref_slice %arg5[%add3A, %dma_wait3A_279, %dma_wait3A_293] : memref<32x100x100xi32, #tpu.memory_space<hbm>> -> memref<1x1x100xi32, #tpu.memory_space<hbm>>
    %dma_wait3A_295 = tpu.memref_squeeze %dma_wait3A_294 : memref<1x1x100xi32, #tpu.memory_space<hbm>> -> memref<100xi32, #tpu.memory_space<hbm>>
    tpu.wait_dma2 semaphore(%dma_wait3A_289 : memref<!tpu.dma_semaphore, #tpu.memory_space<semaphore_mem>>) src(%dma_wait3A_295 : memref<100xi32, #tpu.memory_space<hbm>>) dst(%dma_wait3A_292 : memref<100xi32, #tpu.memory_space<vmem>>)
    %dma_start3A_296 = arith.constant 2 : i32
    %dma_start3A_297 = arith.constant 2 : i32
    %dma_start3A_298 = arith.constant 2 : i32
    %dma_start3A_299 = arith.constant 0 : i32
    %dma_start3A_300 = arith.constant 0 : i32
    %dma_start3A_301 = tpu.memref_slice %arg10[%dma_start3A_297, %dma_start3A_299, %dma_start3A_300] : memref<3x100x128xf32, #tpu.memory_space<vmem>> -> memref<1x100x128xf32, #tpu.memory_space<vmem>>
    %dma_start3A_302 = tpu.memref_squeeze %dma_start3A_301 : memref<1x100x128xf32, #tpu.memory_space<vmem>> -> memref<100x128xf32, #tpu.memory_space<vmem>>
    %dma_start3A_303 = arith.constant 0 : i32
    %dma_start3A_304 = tpu.memref_slice %arg8[%dma_start3A_296, %dma_start3A_303] : memref<4x100xi32, #tpu.memory_space<vmem>> -> memref<1x100xi32, #tpu.memory_space<vmem>>
    %dma_start3A_305 = tpu.memref_squeeze %dma_start3A_304 : memref<1x100xi32, #tpu.memory_space<vmem>> -> memref<100xi32, #tpu.memory_space<vmem>>
    %dma_start3A_306 = arith.constant 0 : i32
    %dma_start3A_307 = arith.constant 0 : i32
    %dma_start3A_308 = tpu.memref_slice %arg2[%dma_start3A_306, %dma_start3A_307] : memref<10000x128xf32, #tpu.memory_space<hbm>> -> memref<10000x128xf32, #tpu.memory_space<hbm>>
    %dma_start3A_309 = tpu.memref_slice %arg12[%dma_start3A_298] : memref<3x!tpu.dma_semaphore, #tpu.memory_space<semaphore_mem>> -> memref<1x!tpu.dma_semaphore, #tpu.memory_space<semaphore_mem>>
    %dma_start3A_310 = tpu.memref_squeeze %dma_start3A_309 : memref<1x!tpu.dma_semaphore, #tpu.memory_space<semaphore_mem>> -> memref<!tpu.dma_semaphore, #tpu.memory_space<semaphore_mem>>
    tpu.enqueue_indirect_dma source(%dma_start3A_308 : memref<10000x128xf32, #tpu.memory_space<hbm>>) target(%dma_start3A_302 : memref<100x128xf32, #tpu.memory_space<vmem>>) offsets(%dma_start3A_305 : memref<100xi32, #tpu.memory_space<vmem>>) semaphore(%dma_start3A_310 : memref<!tpu.dma_semaphore, #tpu.memory_space<semaphore_mem>>)
    %scan3A = arith.constant 0 : i32
    %scan3A_311 = arith.constant 34 : i32
    %scan3A_312 = arith.addi %scan3A, %scan3A_311 : i32
    %scan3A_313 = arith.constant 1 : i32
    scf.for %scan3A_326 = %scan3A to %scan3A_312 step %scan3A_313  : i32 {
      %mul3A_327 = arith.constant 3 : i32
      %mul3A_328 = arith.muli %scan3A_326, %mul3A_327 : i32
      %add3A_329 = arith.constant 0 : i32
      %add3A_330 = arith.addi %add3A_329, %mul3A_328 : i32
      %add3A_331 = arith.constant 0 : i32
      %add3A_332 = arith.addi %add3A_330, %add3A_331 : i32
      %lt3A_333 = arith.constant 100 : i32
      %lt3A_334 = arith.cmpi slt, %add3A_332, %lt3A_333 : i32
      %convert_element_type3A_335 = arith.extui %lt3A_334 : i1 to i32
      %cond3A_336 = arith.constant 0 : i32
      %cond3A_337 = arith.cmpi ne, %convert_element_type3A_335, %cond3A_336 : i32
      scf.if %cond3A_337 {
        %jit3A = arith.constant 4 : i32
        %eq3A_352 = arith.constant 0 : i32
        %eq3A_353 = arith.cmpi eq, %jit3A, %eq3A_352 : i32
        %jit3A_354 = arith.constant 1 : i32
        %select_n3A = arith.select %eq3A_353, %jit3A_354, %jit3A : i32
        %rem3A = arith.remsi %add3A_332, %select_n3A : i32
        %ne3A = arith.constant 0 : i32
        %ne3A_355 = arith.cmpi ne, %rem3A, %ne3A : i32
        %lt3A_356 = arith.constant 0 : i32
        %lt3A_357 = arith.cmpi slt, %rem3A, %lt3A_356 : i32
        %lt3A_358 = arith.constant 0 : i32
        %lt3A_359 = arith.cmpi slt, %select_n3A, %lt3A_358 : i32
        %ne3A_360 = arith.xori %lt3A_357, %lt3A_359 : i1
        %and3A_361 = arith.andi %ne3A_360, %ne3A_355 : i1
        %add3A_362 = arith.addi %rem3A, %select_n3A : i32
        %select_n3A_363 = arith.select %and3A_361, %add3A_362, %rem3A : i32
        %dma_wait3A_364 = arith.constant 0 : i32
        %dma_wait3A_365 = arith.constant 0 : i32
        %dma_wait3A_366 = arith.constant 0 : i32
        %dma_wait3A_367 = arith.constant 0 : i32
        %dma_wait3A_368 = tpu.memref_slice %arg10[%dma_wait3A_364, %dma_wait3A_366, %dma_wait3A_367] : memref<3x100x128xf32, #tpu.memory_space<vmem>> -> memref<1x100x128xf32, #tpu.memory_space<vmem>>
        %dma_wait3A_369 = tpu.memref_squeeze %dma_wait3A_368 : memref<1x100x128xf32, #tpu.memory_space<vmem>> -> memref<100x128xf32, #tpu.memory_space<vmem>>
        %dma_wait3A_370 = arith.constant 0 : i32
        %dma_wait3A_371 = tpu.memref_slice %arg8[%select_n3A_363, %dma_wait3A_370] : memref<4x100xi32, #tpu.memory_space<vmem>> -> memref<1x100xi32, #tpu.memory_space<vmem>>
        %dma_wait3A_372 = tpu.memref_squeeze %dma_wait3A_371 : memref<1x100xi32, #tpu.memory_space<vmem>> -> memref<100xi32, #tpu.memory_space<vmem>>
        %dma_wait3A_373 = arith.constant 0 : i32
        %dma_wait3A_374 = arith.constant 0 : i32
        %dma_wait3A_375 = tpu.memref_slice %arg2[%dma_wait3A_373, %dma_wait3A_374] : memref<10000x128xf32, #tpu.memory_space<hbm>> -> memref<10000x128xf32, #tpu.memory_space<hbm>>
        %dma_wait3A_376 = tpu.memref_slice %arg12[%dma_wait3A_365] : memref<3x!tpu.dma_semaphore, #tpu.memory_space<semaphore_mem>> -> memref<1x!tpu.dma_semaphore, #tpu.memory_space<semaphore_mem>>
        %dma_wait3A_377 = tpu.memref_squeeze %dma_wait3A_376 : memref<1x!tpu.dma_semaphore, #tpu.memory_space<semaphore_mem>> -> memref<!tpu.dma_semaphore, #tpu.memory_space<semaphore_mem>>
        tpu.wait_indirect_dma semaphore(%dma_wait3A_377 : memref<!tpu.dma_semaphore, #tpu.memory_space<semaphore_mem>>) src(%dma_wait3A_375 : memref<10000x128xf32, #tpu.memory_space<hbm>>) dst(%dma_wait3A_369 : memref<100x128xf32, #tpu.memory_space<vmem>>)
        %run_scoped3A = arith.constant 0 : i32
        "tpu.region"() ({
          %run_scoped3A_392 = tpu.sem_alloc : memref<!tpu.dma_semaphore, #tpu.memory_space<semaphore_mem>>
          %dma_start3A_393 = arith.constant 0 : i32
          %dma_start3A_394 = arith.constant 0 : i32
          %dma_start3A_395 = tpu.memref_slice %arg10[%run_scoped3A, %dma_start3A_393, %dma_start3A_394] : memref<3x100x128xf32, #tpu.memory_space<vmem>> -> memref<1x100x128xf32, #tpu.memory_space<vmem>>
          %dma_start3A_396 = tpu.memref_squeeze %dma_start3A_395 : memref<1x100x128xf32, #tpu.memory_space<vmem>> -> memref<100x128xf32, #tpu.memory_space<vmem>>
          %dma_start3A_397 = arith.constant 0 : i32
          %dma_start3A_398 = tpu.memref_slice %arg9[%select_n3A_363, %dma_start3A_397] : memref<4x100xi32, #tpu.memory_space<vmem>> -> memref<1x100xi32, #tpu.memory_space<vmem>>
          %dma_start3A_399 = tpu.memref_squeeze %dma_start3A_398 : memref<1x100xi32, #tpu.memory_space<vmem>> -> memref<100xi32, #tpu.memory_space<vmem>>
          %dma_start3A_400 = arith.constant 0 : i32
          %dma_start3A_401 = arith.constant 0 : i32
          %dma_start3A_402 = tpu.memref_slice %arg7[%dma_start3A_400, %dma_start3A_401] : memref<10000x128xf32, #tpu.memory_space<vmem_shared>> -> memref<10000x128xf32, #tpu.memory_space<vmem_shared>>
          tpu.enqueue_indirect_dma source(%dma_start3A_396 : memref<100x128xf32, #tpu.memory_space<vmem>>) target(%dma_start3A_402 : memref<10000x128xf32, #tpu.memory_space<vmem_shared>>) offsets(%dma_start3A_399 : memref<100xi32, #tpu.memory_space<vmem>>) semaphore(%run_scoped3A_392 : memref<!tpu.dma_semaphore, #tpu.memory_space<semaphore_mem>>) {add = true}
          %dma_wait3A_403 = arith.constant 0 : i32
          %dma_wait3A_404 = arith.constant 0 : i32
          %dma_wait3A_405 = tpu.memref_slice %arg10[%run_scoped3A, %dma_wait3A_403, %dma_wait3A_404] : memref<3x100x128xf32, #tpu.memory_space<vmem>> -> memref<1x100x128xf32, #tpu.memory_space<vmem>>
          %dma_wait3A_406 = tpu.memref_squeeze %dma_wait3A_405 : memref<1x100x128xf32, #tpu.memory_space<vmem>> -> memref<100x128xf32, #tpu.memory_space<vmem>>
          %dma_wait3A_407 = arith.constant 0 : i32
          %dma_wait3A_408 = tpu.memref_slice %arg9[%select_n3A_363, %dma_wait3A_407] : memref<4x100xi32, #tpu.memory_space<vmem>> -> memref<1x100xi32, #tpu.memory_space<vmem>>
          %dma_wait3A_409 = tpu.memref_squeeze %dma_wait3A_408 : memref<1x100xi32, #tpu.memory_space<vmem>> -> memref<100xi32, #tpu.memory_space<vmem>>
          %dma_wait3A_410 = arith.constant 0 : i32
          %dma_wait3A_411 = arith.constant 0 : i32
          %dma_wait3A_412 = tpu.memref_slice %arg7[%dma_wait3A_410, %dma_wait3A_411] : memref<10000x128xf32, #tpu.memory_space<vmem_shared>> -> memref<10000x128xf32, #tpu.memory_space<vmem_shared>>
          tpu.wait_indirect_dma semaphore(%run_scoped3A_392 : memref<!tpu.dma_semaphore, #tpu.memory_space<semaphore_mem>>) src(%dma_wait3A_406 : memref<100x128xf32, #tpu.memory_space<vmem>>) dst(%dma_wait3A_412 : memref<10000x128xf32, #tpu.memory_space<vmem_shared>>)
          tpu.yield
        }) : () -> ()
        %add3A_378 = arith.constant 4 : i32
        %add3A_379 = arith.addi %add3A_332, %add3A_378 : i32
        %lt3A_380 = arith.constant 100 : i32
        %lt3A_381 = arith.cmpi slt, %add3A_379, %lt3A_380 : i32
        %convert_element_type3A_382 = arith.extui %lt3A_381 : i1 to i32
        %cond3A_383 = arith.constant 0 : i32
        %cond3A_384 = arith.cmpi ne, %convert_element_type3A_382, %cond3A_383 : i32
        scf.if %cond3A_384 {
          %add3A_392 = arith.constant 4 : i32
          %add3A_393 = arith.addi %add3A_332, %add3A_392 : i32
          %dma_start3A_394 = arith.constant 0 : i32
          %dma_start3A_395 = tpu.memref_slice %arg8[%select_n3A_363, %dma_start3A_394] : memref<4x100xi32, #tpu.memory_space<vmem>> -> memref<1x100xi32, #tpu.memory_space<vmem>>
          %dma_start3A_396 = tpu.memref_squeeze %dma_start3A_395 : memref<1x100xi32, #tpu.memory_space<vmem>> -> memref<100xi32, #tpu.memory_space<vmem>>
          %dma_start3A_397 = arith.constant 0 : i32
          %dma_start3A_398 = tpu.memref_slice %arg4[%add3A, %add3A_393, %dma_start3A_397] : memref<32x100x100xi32, #tpu.memory_space<hbm>> -> memref<1x1x100xi32, #tpu.memory_space<hbm>>
          %dma_start3A_399 = tpu.memref_squeeze %dma_start3A_398 : memref<1x1x100xi32, #tpu.memory_space<hbm>> -> memref<100xi32, #tpu.memory_space<hbm>>
          %dma_start3A_400 = tpu.memref_slice %arg11[%select_n3A_363] : memref<4x!tpu.dma_semaphore, #tpu.memory_space<semaphore_mem>> -> memref<1x!tpu.dma_semaphore, #tpu.memory_space<semaphore_mem>>
          %dma_start3A_401 = tpu.memref_squeeze %dma_start3A_400 : memref<1x!tpu.dma_semaphore, #tpu.memory_space<semaphore_mem>> -> memref<!tpu.dma_semaphore, #tpu.memory_space<semaphore_mem>>
          %dma_start3A_402 = arith.constant 0 : i32
          %dma_start3A_403 = tpu.memref_slice %arg8[%select_n3A_363, %dma_start3A_402] : memref<4x100xi32, #tpu.memory_space<vmem>> -> memref<1x100xi32, #tpu.memory_space<vmem>>
          %dma_start3A_404 = tpu.memref_squeeze %dma_start3A_403 : memref<1x100xi32, #tpu.memory_space<vmem>> -> memref<100xi32, #tpu.memory_space<vmem>>
          %dma_start3A_405 = arith.constant 0 : i32
          %dma_start3A_406 = tpu.memref_slice %arg4[%add3A, %add3A_393, %dma_start3A_405] : memref<32x100x100xi32, #tpu.memory_space<hbm>> -> memref<1x1x100xi32, #tpu.memory_space<hbm>>
          %dma_start3A_407 = tpu.memref_squeeze %dma_start3A_406 : memref<1x1x100xi32, #tpu.memory_space<hbm>> -> memref<100xi32, #tpu.memory_space<hbm>>
          tpu.enqueue_dma source(%dma_start3A_407 : memref<100xi32, #tpu.memory_space<hbm>>) target(%dma_start3A_404 : memref<100xi32, #tpu.memory_space<vmem>>) target_semaphore(%dma_start3A_401 : memref<!tpu.dma_semaphore, #tpu.memory_space<semaphore_mem>>)
          %dma_start3A_408 = arith.constant 0 : i32
          %dma_start3A_409 = tpu.memref_slice %arg9[%select_n3A_363, %dma_start3A_408] : memref<4x100xi32, #tpu.memory_space<vmem>> -> memref<1x100xi32, #tpu.memory_space<vmem>>
          %dma_start3A_410 = tpu.memref_squeeze %dma_start3A_409 : memref<1x100xi32, #tpu.memory_space<vmem>> -> memref<100xi32, #tpu.memory_space<vmem>>
          %dma_start3A_411 = arith.constant 0 : i32
          %dma_start3A_412 = tpu.memref_slice %arg5[%add3A, %add3A_393, %dma_start3A_411] : memref<32x100x100xi32, #tpu.memory_space<hbm>> -> memref<1x1x100xi32, #tpu.memory_space<hbm>>
          %dma_start3A_413 = tpu.memref_squeeze %dma_start3A_412 : memref<1x1x100xi32, #tpu.memory_space<hbm>> -> memref<100xi32, #tpu.memory_space<hbm>>
          %dma_start3A_414 = tpu.memref_slice %arg11[%select_n3A_363] : memref<4x!tpu.dma_semaphore, #tpu.memory_space<semaphore_mem>> -> memref<1x!tpu.dma_semaphore, #tpu.memory_space<semaphore_mem>>
          %dma_start3A_415 = tpu.memref_squeeze %dma_start3A_414 : memref<1x!tpu.dma_semaphore, #tpu.memory_space<semaphore_mem>> -> memref<!tpu.dma_semaphore, #tpu.memory_space<semaphore_mem>>
          %dma_start3A_416 = arith.constant 0 : i32
          %dma_start3A_417 = tpu.memref_slice %arg9[%select_n3A_363, %dma_start3A_416] : memref<4x100xi32, #tpu.memory_space<vmem>> -> memref<1x100xi32, #tpu.memory_space<vmem>>
          %dma_start3A_418 = tpu.memref_squeeze %dma_start3A_417 : memref<1x100xi32, #tpu.memory_space<vmem>> -> memref<100xi32, #tpu.memory_space<vmem>>
          %dma_start3A_419 = arith.constant 0 : i32
          %dma_start3A_420 = tpu.memref_slice %arg5[%add3A, %add3A_393, %dma_start3A_419] : memref<32x100x100xi32, #tpu.memory_space<hbm>> -> memref<1x1x100xi32, #tpu.memory_space<hbm>>
          %dma_start3A_421 = tpu.memref_squeeze %dma_start3A_420 : memref<1x1x100xi32, #tpu.memory_space<hbm>> -> memref<100xi32, #tpu.memory_space<hbm>>
          tpu.enqueue_dma source(%dma_start3A_421 : memref<100xi32, #tpu.memory_space<hbm>>) target(%dma_start3A_418 : memref<100xi32, #tpu.memory_space<vmem>>) target_semaphore(%dma_start3A_415 : memref<!tpu.dma_semaphore, #tpu.memory_space<semaphore_mem>>)
        } else {
        }
        %add3A_385 = arith.constant 3 : i32
        %add3A_386 = arith.addi %add3A_332, %add3A_385 : i32
        %lt3A_387 = arith.constant 100 : i32
        %lt3A_388 = arith.cmpi slt, %add3A_386, %lt3A_387 : i32
        %convert_element_type3A_389 = arith.extui %lt3A_388 : i1 to i32
        %cond3A_390 = arith.constant 0 : i32
        %cond3A_391 = arith.cmpi ne, %convert_element_type3A_389, %cond3A_390 : i32
        scf.if %cond3A_391 {
          %add3A_392 = arith.constant 3 : i32
          %add3A_393 = arith.addi %add3A_332, %add3A_392 : i32
          %jit3A_394 = arith.constant 4 : i32
          %eq3A_395 = arith.constant 0 : i32
          %eq3A_396 = arith.cmpi eq, %jit3A_394, %eq3A_395 : i32
          %jit3A_397 = arith.constant 1 : i32
          %select_n3A_398 = arith.select %eq3A_396, %jit3A_397, %jit3A_394 : i32
          %rem3A_399 = arith.remsi %add3A_393, %select_n3A_398 : i32
          %ne3A_400 = arith.constant 0 : i32
          %ne3A_401 = arith.cmpi ne, %rem3A_399, %ne3A_400 : i32
          %lt3A_402 = arith.constant 0 : i32
          %lt3A_403 = arith.cmpi slt, %rem3A_399, %lt3A_402 : i32
          %lt3A_404 = arith.constant 0 : i32
          %lt3A_405 = arith.cmpi slt, %select_n3A_398, %lt3A_404 : i32
          %ne3A_406 = arith.xori %lt3A_403, %lt3A_405 : i1
          %and3A_407 = arith.andi %ne3A_406, %ne3A_401 : i1
          %add3A_408 = arith.addi %rem3A_399, %select_n3A_398 : i32
          %select_n3A_409 = arith.select %and3A_407, %add3A_408, %rem3A_399 : i32
          %add3A_410 = arith.constant 3 : i32
          %add3A_411 = arith.addi %add3A_332, %add3A_410 : i32
          %dma_wait3A_412 = arith.constant 0 : i32
          %dma_wait3A_413 = tpu.memref_slice %arg8[%select_n3A_409, %dma_wait3A_412] : memref<4x100xi32, #tpu.memory_space<vmem>> -> memref<1x100xi32, #tpu.memory_space<vmem>>
          %dma_wait3A_414 = tpu.memref_squeeze %dma_wait3A_413 : memref<1x100xi32, #tpu.memory_space<vmem>> -> memref<100xi32, #tpu.memory_space<vmem>>
          %dma_wait3A_415 = arith.constant 0 : i32
          %dma_wait3A_416 = tpu.memref_slice %arg4[%add3A, %add3A_411, %dma_wait3A_415] : memref<32x100x100xi32, #tpu.memory_space<hbm>> -> memref<1x1x100xi32, #tpu.memory_space<hbm>>
          %dma_wait3A_417 = tpu.memref_squeeze %dma_wait3A_416 : memref<1x1x100xi32, #tpu.memory_space<hbm>> -> memref<100xi32, #tpu.memory_space<hbm>>
          %dma_wait3A_418 = tpu.memref_slice %arg11[%select_n3A_409] : memref<4x!tpu.dma_semaphore, #tpu.memory_space<semaphore_mem>> -> memref<1x!tpu.dma_semaphore, #tpu.memory_space<semaphore_mem>>
          %dma_wait3A_419 = tpu.memref_squeeze %dma_wait3A_418 : memref<1x!tpu.dma_semaphore, #tpu.memory_space<semaphore_mem>> -> memref<!tpu.dma_semaphore, #tpu.memory_space<semaphore_mem>>
          %dma_wait3A_420 = arith.constant 0 : i32
          %dma_wait3A_421 = tpu.memref_slice %arg8[%select_n3A_409, %dma_wait3A_420] : memref<4x100xi32, #tpu.memory_space<vmem>> -> memref<1x100xi32, #tpu.memory_space<vmem>>
          %dma_wait3A_422 = tpu.memref_squeeze %dma_wait3A_421 : memref<1x100xi32, #tpu.memory_space<vmem>> -> memref<100xi32, #tpu.memory_space<vmem>>
          %dma_wait3A_423 = arith.constant 0 : i32
          %dma_wait3A_424 = tpu.memref_slice %arg4[%add3A, %add3A_411, %dma_wait3A_423] : memref<32x100x100xi32, #tpu.memory_space<hbm>> -> memref<1x1x100xi32, #tpu.memory_space<hbm>>
          %dma_wait3A_425 = tpu.memref_squeeze %dma_wait3A_424 : memref<1x1x100xi32, #tpu.memory_space<hbm>> -> memref<100xi32, #tpu.memory_space<hbm>>
          tpu.wait_dma2 semaphore(%dma_wait3A_419 : memref<!tpu.dma_semaphore, #tpu.memory_space<semaphore_mem>>) src(%dma_wait3A_425 : memref<100xi32, #tpu.memory_space<hbm>>) dst(%dma_wait3A_422 : memref<100xi32, #tpu.memory_space<vmem>>)
          %dma_wait3A_426 = arith.constant 0 : i32
          %dma_wait3A_427 = tpu.memref_slice %arg9[%select_n3A_409, %dma_wait3A_426] : memref<4x100xi32, #tpu.memory_space<vmem>> -> memref<1x100xi32, #tpu.memory_space<vmem>>
          %dma_wait3A_428 = tpu.memref_squeeze %dma_wait3A_427 : memref<1x100xi32, #tpu.memory_space<vmem>> -> memref<100xi32, #tpu.memory_space<vmem>>
          %dma_wait3A_429 = arith.constant 0 : i32
          %dma_wait3A_430 = tpu.memref_slice %arg5[%add3A, %add3A_411, %dma_wait3A_429] : memref<32x100x100xi32, #tpu.memory_space<hbm>> -> memref<1x1x100xi32, #tpu.memory_space<hbm>>
          %dma_wait3A_431 = tpu.memref_squeeze %dma_wait3A_430 : memref<1x1x100xi32, #tpu.memory_space<hbm>> -> memref<100xi32, #tpu.memory_space<hbm>>
          %dma_wait3A_432 = tpu.memref_slice %arg11[%select_n3A_409] : memref<4x!tpu.dma_semaphore, #tpu.memory_space<semaphore_mem>> -> memref<1x!tpu.dma_semaphore, #tpu.memory_space<semaphore_mem>>
          %dma_wait3A_433 = tpu.memref_squeeze %dma_wait3A_432 : memref<1x!tpu.dma_semaphore, #tpu.memory_space<semaphore_mem>> -> memref<!tpu.dma_semaphore, #tpu.memory_space<semaphore_mem>>
          %dma_wait3A_434 = arith.constant 0 : i32
          %dma_wait3A_435 = tpu.memref_slice %arg9[%select_n3A_409, %dma_wait3A_434] : memref<4x100xi32, #tpu.memory_space<vmem>> -> memref<1x100xi32, #tpu.memory_space<vmem>>
          %dma_wait3A_436 = tpu.memref_squeeze %dma_wait3A_435 : memref<1x100xi32, #tpu.memory_space<vmem>> -> memref<100xi32, #tpu.memory_space<vmem>>
          %dma_wait3A_437 = arith.constant 0 : i32
          %dma_wait3A_438 = tpu.memref_slice %arg5[%add3A, %add3A_411, %dma_wait3A_437] : memref<32x100x100xi32, #tpu.memory_space<hbm>> -> memref<1x1x100xi32, #tpu.memory_space<hbm>>
          %dma_wait3A_439 = tpu.memref_squeeze %dma_wait3A_438 : memref<1x1x100xi32, #tpu.memory_space<hbm>> -> memref<100xi32, #tpu.memory_space<hbm>>
          tpu.wait_dma2 semaphore(%dma_wait3A_433 : memref<!tpu.dma_semaphore, #tpu.memory_space<semaphore_mem>>) src(%dma_wait3A_439 : memref<100xi32, #tpu.memory_space<hbm>>) dst(%dma_wait3A_436 : memref<100xi32, #tpu.memory_space<vmem>>)
          %add3A_440 = arith.constant 3 : i32
          %add3A_441 = arith.addi %add3A_332, %add3A_440 : i32
          %dma_start3A_442 = arith.constant 0 : i32
          %dma_start3A_443 = arith.constant 0 : i32
          %dma_start3A_444 = arith.constant 0 : i32
          %dma_start3A_445 = arith.constant 0 : i32
          %dma_start3A_446 = tpu.memref_slice %arg10[%dma_start3A_442, %dma_start3A_444, %dma_start3A_445] : memref<3x100x128xf32, #tpu.memory_space<vmem>> -> memref<1x100x128xf32, #tpu.memory_space<vmem>>
          %dma_start3A_447 = tpu.memref_squeeze %dma_start3A_446 : memref<1x100x128xf32, #tpu.memory_space<vmem>> -> memref<100x128xf32, #tpu.memory_space<vmem>>
          %dma_start3A_448 = arith.constant 0 : i32
          %dma_start3A_449 = tpu.memref_slice %arg8[%select_n3A_409, %dma_start3A_448] : memref<4x100xi32, #tpu.memory_space<vmem>> -> memref<1x100xi32, #tpu.memory_space<vmem>>
          %dma_start3A_450 = tpu.memref_squeeze %dma_start3A_449 : memref<1x100xi32, #tpu.memory_space<vmem>> -> memref<100xi32, #tpu.memory_space<vmem>>
          %dma_start3A_451 = arith.constant 0 : i32
          %dma_start3A_452 = arith.constant 0 : i32
          %dma_start3A_453 = tpu.memref_slice %arg2[%dma_start3A_451, %dma_start3A_452] : memref<10000x128xf32, #tpu.memory_space<hbm>> -> memref<10000x128xf32, #tpu.memory_space<hbm>>
          %dma_start3A_454 = tpu.memref_slice %arg12[%dma_start3A_443] : memref<3x!tpu.dma_semaphore, #tpu.memory_space<semaphore_mem>> -> memref<1x!tpu.dma_semaphore, #tpu.memory_space<semaphore_mem>>
          %dma_start3A_455 = tpu.memref_squeeze %dma_start3A_454 : memref<1x!tpu.dma_semaphore, #tpu.memory_space<semaphore_mem>> -> memref<!tpu.dma_semaphore, #tpu.memory_space<semaphore_mem>>
          tpu.enqueue_indirect_dma source(%dma_start3A_453 : memref<10000x128xf32, #tpu.memory_space<hbm>>) target(%dma_start3A_447 : memref<100x128xf32, #tpu.memory_space<vmem>>) offsets(%dma_start3A_450 : memref<100xi32, #tpu.memory_space<vmem>>) semaphore(%dma_start3A_455 : memref<!tpu.dma_semaphore, #tpu.memory_space<semaphore_mem>>)
        } else {
        }
      } else {
      }
      %add3A_338 = arith.constant 1 : i32
      %add3A_339 = arith.addi %add3A_330, %add3A_338 : i32
      %lt3A_340 = arith.constant 100 : i32
      %lt3A_341 = arith.cmpi slt, %add3A_339, %lt3A_340 : i32
      %convert_element_type3A_342 = arith.extui %lt3A_341 : i1 to i32
      %cond3A_343 = arith.constant 0 : i32
      %cond3A_344 = arith.cmpi ne, %convert_element_type3A_342, %cond3A_343 : i32
      scf.if %cond3A_344 {
        %jit3A = arith.constant 4 : i32
        %eq3A_352 = arith.constant 0 : i32
        %eq3A_353 = arith.cmpi eq, %jit3A, %eq3A_352 : i32
        %jit3A_354 = arith.constant 1 : i32
        %select_n3A = arith.select %eq3A_353, %jit3A_354, %jit3A : i32
        %rem3A = arith.remsi %add3A_339, %select_n3A : i32
        %ne3A = arith.constant 0 : i32
        %ne3A_355 = arith.cmpi ne, %rem3A, %ne3A : i32
        %lt3A_356 = arith.constant 0 : i32
        %lt3A_357 = arith.cmpi slt, %rem3A, %lt3A_356 : i32
        %lt3A_358 = arith.constant 0 : i32
        %lt3A_359 = arith.cmpi slt, %select_n3A, %lt3A_358 : i32
        %ne3A_360 = arith.xori %lt3A_357, %lt3A_359 : i1
        %and3A_361 = arith.andi %ne3A_360, %ne3A_355 : i1
        %add3A_362 = arith.addi %rem3A, %select_n3A : i32
        %select_n3A_363 = arith.select %and3A_361, %add3A_362, %rem3A : i32
        %dma_wait3A_364 = arith.constant 1 : i32
        %dma_wait3A_365 = arith.constant 1 : i32
        %dma_wait3A_366 = arith.constant 0 : i32
        %dma_wait3A_367 = arith.constant 0 : i32
        %dma_wait3A_368 = tpu.memref_slice %arg10[%dma_wait3A_364, %dma_wait3A_366, %dma_wait3A_367] : memref<3x100x128xf32, #tpu.memory_space<vmem>> -> memref<1x100x128xf32, #tpu.memory_space<vmem>>
        %dma_wait3A_369 = tpu.memref_squeeze %dma_wait3A_368 : memref<1x100x128xf32, #tpu.memory_space<vmem>> -> memref<100x128xf32, #tpu.memory_space<vmem>>
        %dma_wait3A_370 = arith.constant 0 : i32
        %dma_wait3A_371 = tpu.memref_slice %arg8[%select_n3A_363, %dma_wait3A_370] : memref<4x100xi32, #tpu.memory_space<vmem>> -> memref<1x100xi32, #tpu.memory_space<vmem>>
        %dma_wait3A_372 = tpu.memref_squeeze %dma_wait3A_371 : memref<1x100xi32, #tpu.memory_space<vmem>> -> memref<100xi32, #tpu.memory_space<vmem>>
        %dma_wait3A_373 = arith.constant 0 : i32
        %dma_wait3A_374 = arith.constant 0 : i32
        %dma_wait3A_375 = tpu.memref_slice %arg2[%dma_wait3A_373, %dma_wait3A_374] : memref<10000x128xf32, #tpu.memory_space<hbm>> -> memref<10000x128xf32, #tpu.memory_space<hbm>>
        %dma_wait3A_376 = tpu.memref_slice %arg12[%dma_wait3A_365] : memref<3x!tpu.dma_semaphore, #tpu.memory_space<semaphore_mem>> -> memref<1x!tpu.dma_semaphore, #tpu.memory_space<semaphore_mem>>
        %dma_wait3A_377 = tpu.memref_squeeze %dma_wait3A_376 : memref<1x!tpu.dma_semaphore, #tpu.memory_space<semaphore_mem>> -> memref<!tpu.dma_semaphore, #tpu.memory_space<semaphore_mem>>
        tpu.wait_indirect_dma semaphore(%dma_wait3A_377 : memref<!tpu.dma_semaphore, #tpu.memory_space<semaphore_mem>>) src(%dma_wait3A_375 : memref<10000x128xf32, #tpu.memory_space<hbm>>) dst(%dma_wait3A_369 : memref<100x128xf32, #tpu.memory_space<vmem>>)
        %run_scoped3A = arith.constant 1 : i32
        "tpu.region"() ({
          %run_scoped3A_392 = tpu.sem_alloc : memref<!tpu.dma_semaphore, #tpu.memory_space<semaphore_mem>>
          %dma_start3A_393 = arith.constant 0 : i32
          %dma_start3A_394 = arith.constant 0 : i32
          %dma_start3A_395 = tpu.memref_slice %arg10[%run_scoped3A, %dma_start3A_393, %dma_start3A_394] : memref<3x100x128xf32, #tpu.memory_space<vmem>> -> memref<1x100x128xf32, #tpu.memory_space<vmem>>
          %dma_start3A_396 = tpu.memref_squeeze %dma_start3A_395 : memref<1x100x128xf32, #tpu.memory_space<vmem>> -> memref<100x128xf32, #tpu.memory_space<vmem>>
          %dma_start3A_397 = arith.constant 0 : i32
          %dma_start3A_398 = tpu.memref_slice %arg9[%select_n3A_363, %dma_start3A_397] : memref<4x100xi32, #tpu.memory_space<vmem>> -> memref<1x100xi32, #tpu.memory_space<vmem>>
          %dma_start3A_399 = tpu.memref_squeeze %dma_start3A_398 : memref<1x100xi32, #tpu.memory_space<vmem>> -> memref<100xi32, #tpu.memory_space<vmem>>
          %dma_start3A_400 = arith.constant 0 : i32
          %dma_start3A_401 = arith.constant 0 : i32
          %dma_start3A_402 = tpu.memref_slice %arg7[%dma_start3A_400, %dma_start3A_401] : memref<10000x128xf32, #tpu.memory_space<vmem_shared>> -> memref<10000x128xf32, #tpu.memory_space<vmem_shared>>
          tpu.enqueue_indirect_dma source(%dma_start3A_396 : memref<100x128xf32, #tpu.memory_space<vmem>>) target(%dma_start3A_402 : memref<10000x128xf32, #tpu.memory_space<vmem_shared>>) offsets(%dma_start3A_399 : memref<100xi32, #tpu.memory_space<vmem>>) semaphore(%run_scoped3A_392 : memref<!tpu.dma_semaphore, #tpu.memory_space<semaphore_mem>>) {add = true}
          %dma_wait3A_403 = arith.constant 0 : i32
          %dma_wait3A_404 = arith.constant 0 : i32
          %dma_wait3A_405 = tpu.memref_slice %arg10[%run_scoped3A, %dma_wait3A_403, %dma_wait3A_404] : memref<3x100x128xf32, #tpu.memory_space<vmem>> -> memref<1x100x128xf32, #tpu.memory_space<vmem>>
          %dma_wait3A_406 = tpu.memref_squeeze %dma_wait3A_405 : memref<1x100x128xf32, #tpu.memory_space<vmem>> -> memref<100x128xf32, #tpu.memory_space<vmem>>
          %dma_wait3A_407 = arith.constant 0 : i32
          %dma_wait3A_408 = tpu.memref_slice %arg9[%select_n3A_363, %dma_wait3A_407] : memref<4x100xi32, #tpu.memory_space<vmem>> -> memref<1x100xi32, #tpu.memory_space<vmem>>
          %dma_wait3A_409 = tpu.memref_squeeze %dma_wait3A_408 : memref<1x100xi32, #tpu.memory_space<vmem>> -> memref<100xi32, #tpu.memory_space<vmem>>
          %dma_wait3A_410 = arith.constant 0 : i32
          %dma_wait3A_411 = arith.constant 0 : i32
          %dma_wait3A_412 = tpu.memref_slice %arg7[%dma_wait3A_410, %dma_wait3A_411] : memref<10000x128xf32, #tpu.memory_space<vmem_shared>> -> memref<10000x128xf32, #tpu.memory_space<vmem_shared>>
          tpu.wait_indirect_dma semaphore(%run_scoped3A_392 : memref<!tpu.dma_semaphore, #tpu.memory_space<semaphore_mem>>) src(%dma_wait3A_406 : memref<100x128xf32, #tpu.memory_space<vmem>>) dst(%dma_wait3A_412 : memref<10000x128xf32, #tpu.memory_space<vmem_shared>>)
          tpu.yield
        }) : () -> ()
        %add3A_378 = arith.constant 4 : i32
        %add3A_379 = arith.addi %add3A_339, %add3A_378 : i32
        %lt3A_380 = arith.constant 100 : i32
        %lt3A_381 = arith.cmpi slt, %add3A_379, %lt3A_380 : i32
        %convert_element_type3A_382 = arith.extui %lt3A_381 : i1 to i32
        %cond3A_383 = arith.constant 0 : i32
        %cond3A_384 = arith.cmpi ne, %convert_element_type3A_382, %cond3A_383 : i32
        scf.if %cond3A_384 {
          %add3A_392 = arith.constant 4 : i32
          %add3A_393 = arith.addi %add3A_339, %add3A_392 : i32
          %dma_start3A_394 = arith.constant 0 : i32
          %dma_start3A_395 = tpu.memref_slice %arg8[%select_n3A_363, %dma_start3A_394] : memref<4x100xi32, #tpu.memory_space<vmem>> -> memref<1x100xi32, #tpu.memory_space<vmem>>
          %dma_start3A_396 = tpu.memref_squeeze %dma_start3A_395 : memref<1x100xi32, #tpu.memory_space<vmem>> -> memref<100xi32, #tpu.memory_space<vmem>>
          %dma_start3A_397 = arith.constant 0 : i32
          %dma_start3A_398 = tpu.memref_slice %arg4[%add3A, %add3A_393, %dma_start3A_397] : memref<32x100x100xi32, #tpu.memory_space<hbm>> -> memref<1x1x100xi32, #tpu.memory_space<hbm>>
          %dma_start3A_399 = tpu.memref_squeeze %dma_start3A_398 : memref<1x1x100xi32, #tpu.memory_space<hbm>> -> memref<100xi32, #tpu.memory_space<hbm>>
          %dma_start3A_400 = tpu.memref_slice %arg11[%select_n3A_363] : memref<4x!tpu.dma_semaphore, #tpu.memory_space<semaphore_mem>> -> memref<1x!tpu.dma_semaphore, #tpu.memory_space<semaphore_mem>>
          %dma_start3A_401 = tpu.memref_squeeze %dma_start3A_400 : memref<1x!tpu.dma_semaphore, #tpu.memory_space<semaphore_mem>> -> memref<!tpu.dma_semaphore, #tpu.memory_space<semaphore_mem>>
          %dma_start3A_402 = arith.constant 0 : i32
          %dma_start3A_403 = tpu.memref_slice %arg8[%select_n3A_363, %dma_start3A_402] : memref<4x100xi32, #tpu.memory_space<vmem>> -> memref<1x100xi32, #tpu.memory_space<vmem>>
          %dma_start3A_404 = tpu.memref_squeeze %dma_start3A_403 : memref<1x100xi32, #tpu.memory_space<vmem>> -> memref<100xi32, #tpu.memory_space<vmem>>
          %dma_start3A_405 = arith.constant 0 : i32
          %dma_start3A_406 = tpu.memref_slice %arg4[%add3A, %add3A_393, %dma_start3A_405] : memref<32x100x100xi32, #tpu.memory_space<hbm>> -> memref<1x1x100xi32, #tpu.memory_space<hbm>>
          %dma_start3A_407 = tpu.memref_squeeze %dma_start3A_406 : memref<1x1x100xi32, #tpu.memory_space<hbm>> -> memref<100xi32, #tpu.memory_space<hbm>>
          tpu.enqueue_dma source(%dma_start3A_407 : memref<100xi32, #tpu.memory_space<hbm>>) target(%dma_start3A_404 : memref<100xi32, #tpu.memory_space<vmem>>) target_semaphore(%dma_start3A_401 : memref<!tpu.dma_semaphore, #tpu.memory_space<semaphore_mem>>)
          %dma_start3A_408 = arith.constant 0 : i32
          %dma_start3A_409 = tpu.memref_slice %arg9[%select_n3A_363, %dma_start3A_408] : memref<4x100xi32, #tpu.memory_space<vmem>> -> memref<1x100xi32, #tpu.memory_space<vmem>>
          %dma_start3A_410 = tpu.memref_squeeze %dma_start3A_409 : memref<1x100xi32, #tpu.memory_space<vmem>> -> memref<100xi32, #tpu.memory_space<vmem>>
          %dma_start3A_411 = arith.constant 0 : i32
          %dma_start3A_412 = tpu.memref_slice %arg5[%add3A, %add3A_393, %dma_start3A_411] : memref<32x100x100xi32, #tpu.memory_space<hbm>> -> memref<1x1x100xi32, #tpu.memory_space<hbm>>
          %dma_start3A_413 = tpu.memref_squeeze %dma_start3A_412 : memref<1x1x100xi32, #tpu.memory_space<hbm>> -> memref<100xi32, #tpu.memory_space<hbm>>
          %dma_start3A_414 = tpu.memref_slice %arg11[%select_n3A_363] : memref<4x!tpu.dma_semaphore, #tpu.memory_space<semaphore_mem>> -> memref<1x!tpu.dma_semaphore, #tpu.memory_space<semaphore_mem>>
          %dma_start3A_415 = tpu.memref_squeeze %dma_start3A_414 : memref<1x!tpu.dma_semaphore, #tpu.memory_space<semaphore_mem>> -> memref<!tpu.dma_semaphore, #tpu.memory_space<semaphore_mem>>
          %dma_start3A_416 = arith.constant 0 : i32
          %dma_start3A_417 = tpu.memref_slice %arg9[%select_n3A_363, %dma_start3A_416] : memref<4x100xi32, #tpu.memory_space<vmem>> -> memref<1x100xi32, #tpu.memory_space<vmem>>
          %dma_start3A_418 = tpu.memref_squeeze %dma_start3A_417 : memref<1x100xi32, #tpu.memory_space<vmem>> -> memref<100xi32, #tpu.memory_space<vmem>>
          %dma_start3A_419 = arith.constant 0 : i32
          %dma_start3A_420 = tpu.memref_slice %arg5[%add3A, %add3A_393, %dma_start3A_419] : memref<32x100x100xi32, #tpu.memory_space<hbm>> -> memref<1x1x100xi32, #tpu.memory_space<hbm>>
          %dma_start3A_421 = tpu.memref_squeeze %dma_start3A_420 : memref<1x1x100xi32, #tpu.memory_space<hbm>> -> memref<100xi32, #tpu.memory_space<hbm>>
          tpu.enqueue_dma source(%dma_start3A_421 : memref<100xi32, #tpu.memory_space<hbm>>) target(%dma_start3A_418 : memref<100xi32, #tpu.memory_space<vmem>>) target_semaphore(%dma_start3A_415 : memref<!tpu.dma_semaphore, #tpu.memory_space<semaphore_mem>>)
        } else {
        }
        %add3A_385 = arith.constant 3 : i32
        %add3A_386 = arith.addi %add3A_339, %add3A_385 : i32
        %lt3A_387 = arith.constant 100 : i32
        %lt3A_388 = arith.cmpi slt, %add3A_386, %lt3A_387 : i32
        %convert_element_type3A_389 = arith.extui %lt3A_388 : i1 to i32
        %cond3A_390 = arith.constant 0 : i32
        %cond3A_391 = arith.cmpi ne, %convert_element_type3A_389, %cond3A_390 : i32
        scf.if %cond3A_391 {
          %add3A_392 = arith.constant 3 : i32
          %add3A_393 = arith.addi %add3A_339, %add3A_392 : i32
          %jit3A_394 = arith.constant 4 : i32
          %eq3A_395 = arith.constant 0 : i32
          %eq3A_396 = arith.cmpi eq, %jit3A_394, %eq3A_395 : i32
          %jit3A_397 = arith.constant 1 : i32
          %select_n3A_398 = arith.select %eq3A_396, %jit3A_397, %jit3A_394 : i32
          %rem3A_399 = arith.remsi %add3A_393, %select_n3A_398 : i32
          %ne3A_400 = arith.constant 0 : i32
          %ne3A_401 = arith.cmpi ne, %rem3A_399, %ne3A_400 : i32
          %lt3A_402 = arith.constant 0 : i32
          %lt3A_403 = arith.cmpi slt, %rem3A_399, %lt3A_402 : i32
          %lt3A_404 = arith.constant 0 : i32
          %lt3A_405 = arith.cmpi slt, %select_n3A_398, %lt3A_404 : i32
          %ne3A_406 = arith.xori %lt3A_403, %lt3A_405 : i1
          %and3A_407 = arith.andi %ne3A_406, %ne3A_401 : i1
          %add3A_408 = arith.addi %rem3A_399, %select_n3A_398 : i32
          %select_n3A_409 = arith.select %and3A_407, %add3A_408, %rem3A_399 : i32
          %add3A_410 = arith.constant 3 : i32
          %add3A_411 = arith.addi %add3A_339, %add3A_410 : i32
          %dma_wait3A_412 = arith.constant 0 : i32
          %dma_wait3A_413 = tpu.memref_slice %arg8[%select_n3A_409, %dma_wait3A_412] : memref<4x100xi32, #tpu.memory_space<vmem>> -> memref<1x100xi32, #tpu.memory_space<vmem>>
          %dma_wait3A_414 = tpu.memref_squeeze %dma_wait3A_413 : memref<1x100xi32, #tpu.memory_space<vmem>> -> memref<100xi32, #tpu.memory_space<vmem>>
          %dma_wait3A_415 = arith.constant 0 : i32
          %dma_wait3A_416 = tpu.memref_slice %arg4[%add3A, %add3A_411, %dma_wait3A_415] : memref<32x100x100xi32, #tpu.memory_space<hbm>> -> memref<1x1x100xi32, #tpu.memory_space<hbm>>
          %dma_wait3A_417 = tpu.memref_squeeze %dma_wait3A_416 : memref<1x1x100xi32, #tpu.memory_space<hbm>> -> memref<100xi32, #tpu.memory_space<hbm>>
          %dma_wait3A_418 = tpu.memref_slice %arg11[%select_n3A_409] : memref<4x!tpu.dma_semaphore, #tpu.memory_space<semaphore_mem>> -> memref<1x!tpu.dma_semaphore, #tpu.memory_space<semaphore_mem>>
          %dma_wait3A_419 = tpu.memref_squeeze %dma_wait3A_418 : memref<1x!tpu.dma_semaphore, #tpu.memory_space<semaphore_mem>> -> memref<!tpu.dma_semaphore, #tpu.memory_space<semaphore_mem>>
          %dma_wait3A_420 = arith.constant 0 : i32
          %dma_wait3A_421 = tpu.memref_slice %arg8[%select_n3A_409, %dma_wait3A_420] : memref<4x100xi32, #tpu.memory_space<vmem>> -> memref<1x100xi32, #tpu.memory_space<vmem>>
          %dma_wait3A_422 = tpu.memref_squeeze %dma_wait3A_421 : memref<1x100xi32, #tpu.memory_space<vmem>> -> memref<100xi32, #tpu.memory_space<vmem>>
          %dma_wait3A_423 = arith.constant 0 : i32
          %dma_wait3A_424 = tpu.memref_slice %arg4[%add3A, %add3A_411, %dma_wait3A_423] : memref<32x100x100xi32, #tpu.memory_space<hbm>> -> memref<1x1x100xi32, #tpu.memory_space<hbm>>
          %dma_wait3A_425 = tpu.memref_squeeze %dma_wait3A_424 : memref<1x1x100xi32, #tpu.memory_space<hbm>> -> memref<100xi32, #tpu.memory_space<hbm>>
          tpu.wait_dma2 semaphore(%dma_wait3A_419 : memref<!tpu.dma_semaphore, #tpu.memory_space<semaphore_mem>>) src(%dma_wait3A_425 : memref<100xi32, #tpu.memory_space<hbm>>) dst(%dma_wait3A_422 : memref<100xi32, #tpu.memory_space<vmem>>)
          %dma_wait3A_426 = arith.constant 0 : i32
          %dma_wait3A_427 = tpu.memref_slice %arg9[%select_n3A_409, %dma_wait3A_426] : memref<4x100xi32, #tpu.memory_space<vmem>> -> memref<1x100xi32, #tpu.memory_space<vmem>>
          %dma_wait3A_428 = tpu.memref_squeeze %dma_wait3A_427 : memref<1x100xi32, #tpu.memory_space<vmem>> -> memref<100xi32, #tpu.memory_space<vmem>>
          %dma_wait3A_429 = arith.constant 0 : i32
          %dma_wait3A_430 = tpu.memref_slice %arg5[%add3A, %add3A_411, %dma_wait3A_429] : memref<32x100x100xi32, #tpu.memory_space<hbm>> -> memref<1x1x100xi32, #tpu.memory_space<hbm>>
          %dma_wait3A_431 = tpu.memref_squeeze %dma_wait3A_430 : memref<1x1x100xi32, #tpu.memory_space<hbm>> -> memref<100xi32, #tpu.memory_space<hbm>>
          %dma_wait3A_432 = tpu.memref_slice %arg11[%select_n3A_409] : memref<4x!tpu.dma_semaphore, #tpu.memory_space<semaphore_mem>> -> memref<1x!tpu.dma_semaphore, #tpu.memory_space<semaphore_mem>>
          %dma_wait3A_433 = tpu.memref_squeeze %dma_wait3A_432 : memref<1x!tpu.dma_semaphore, #tpu.memory_space<semaphore_mem>> -> memref<!tpu.dma_semaphore, #tpu.memory_space<semaphore_mem>>
          %dma_wait3A_434 = arith.constant 0 : i32
          %dma_wait3A_435 = tpu.memref_slice %arg9[%select_n3A_409, %dma_wait3A_434] : memref<4x100xi32, #tpu.memory_space<vmem>> -> memref<1x100xi32, #tpu.memory_space<vmem>>
          %dma_wait3A_436 = tpu.memref_squeeze %dma_wait3A_435 : memref<1x100xi32, #tpu.memory_space<vmem>> -> memref<100xi32, #tpu.memory_space<vmem>>
          %dma_wait3A_437 = arith.constant 0 : i32
          %dma_wait3A_438 = tpu.memref_slice %arg5[%add3A, %add3A_411, %dma_wait3A_437] : memref<32x100x100xi32, #tpu.memory_space<hbm>> -> memref<1x1x100xi32, #tpu.memory_space<hbm>>
          %dma_wait3A_439 = tpu.memref_squeeze %dma_wait3A_438 : memref<1x1x100xi32, #tpu.memory_space<hbm>> -> memref<100xi32, #tpu.memory_space<hbm>>
          tpu.wait_dma2 semaphore(%dma_wait3A_433 : memref<!tpu.dma_semaphore, #tpu.memory_space<semaphore_mem>>) src(%dma_wait3A_439 : memref<100xi32, #tpu.memory_space<hbm>>) dst(%dma_wait3A_436 : memref<100xi32, #tpu.memory_space<vmem>>)
          %add3A_440 = arith.constant 3 : i32
          %add3A_441 = arith.addi %add3A_339, %add3A_440 : i32
          %dma_start3A_442 = arith.constant 1 : i32
          %dma_start3A_443 = arith.constant 1 : i32
          %dma_start3A_444 = arith.constant 0 : i32
          %dma_start3A_445 = arith.constant 0 : i32
          %dma_start3A_446 = tpu.memref_slice %arg10[%dma_start3A_442, %dma_start3A_444, %dma_start3A_445] : memref<3x100x128xf32, #tpu.memory_space<vmem>> -> memref<1x100x128xf32, #tpu.memory_space<vmem>>
          %dma_start3A_447 = tpu.memref_squeeze %dma_start3A_446 : memref<1x100x128xf32, #tpu.memory_space<vmem>> -> memref<100x128xf32, #tpu.memory_space<vmem>>
          %dma_start3A_448 = arith.constant 0 : i32
          %dma_start3A_449 = tpu.memref_slice %arg8[%select_n3A_409, %dma_start3A_448] : memref<4x100xi32, #tpu.memory_space<vmem>> -> memref<1x100xi32, #tpu.memory_space<vmem>>
          %dma_start3A_450 = tpu.memref_squeeze %dma_start3A_449 : memref<1x100xi32, #tpu.memory_space<vmem>> -> memref<100xi32, #tpu.memory_space<vmem>>
          %dma_start3A_451 = arith.constant 0 : i32
          %dma_start3A_452 = arith.constant 0 : i32
          %dma_start3A_453 = tpu.memref_slice %arg2[%dma_start3A_451, %dma_start3A_452] : memref<10000x128xf32, #tpu.memory_space<hbm>> -> memref<10000x128xf32, #tpu.memory_space<hbm>>
          %dma_start3A_454 = tpu.memref_slice %arg12[%dma_start3A_443] : memref<3x!tpu.dma_semaphore, #tpu.memory_space<semaphore_mem>> -> memref<1x!tpu.dma_semaphore, #tpu.memory_space<semaphore_mem>>
          %dma_start3A_455 = tpu.memref_squeeze %dma_start3A_454 : memref<1x!tpu.dma_semaphore, #tpu.memory_space<semaphore_mem>> -> memref<!tpu.dma_semaphore, #tpu.memory_space<semaphore_mem>>
          tpu.enqueue_indirect_dma source(%dma_start3A_453 : memref<10000x128xf32, #tpu.memory_space<hbm>>) target(%dma_start3A_447 : memref<100x128xf32, #tpu.memory_space<vmem>>) offsets(%dma_start3A_450 : memref<100xi32, #tpu.memory_space<vmem>>) semaphore(%dma_start3A_455 : memref<!tpu.dma_semaphore, #tpu.memory_space<semaphore_mem>>)
        } else {
        }
      } else {
      }
      %add3A_345 = arith.constant 2 : i32
      %add3A_346 = arith.addi %add3A_330, %add3A_345 : i32
      %lt3A_347 = arith.constant 100 : i32
      %lt3A_348 = arith.cmpi slt, %add3A_346, %lt3A_347 : i32
      %convert_element_type3A_349 = arith.extui %lt3A_348 : i1 to i32
      %cond3A_350 = arith.constant 0 : i32
      %cond3A_351 = arith.cmpi ne, %convert_element_type3A_349, %cond3A_350 : i32
      scf.if %cond3A_351 {
        %jit3A = arith.constant 4 : i32
        %eq3A_352 = arith.constant 0 : i32
        %eq3A_353 = arith.cmpi eq, %jit3A, %eq3A_352 : i32
        %jit3A_354 = arith.constant 1 : i32
        %select_n3A = arith.select %eq3A_353, %jit3A_354, %jit3A : i32
        %rem3A = arith.remsi %add3A_346, %select_n3A : i32
        %ne3A = arith.constant 0 : i32
        %ne3A_355 = arith.cmpi ne, %rem3A, %ne3A : i32
        %lt3A_356 = arith.constant 0 : i32
        %lt3A_357 = arith.cmpi slt, %rem3A, %lt3A_356 : i32
        %lt3A_358 = arith.constant 0 : i32
        %lt3A_359 = arith.cmpi slt, %select_n3A, %lt3A_358 : i32
        %ne3A_360 = arith.xori %lt3A_357, %lt3A_359 : i1
        %and3A_361 = arith.andi %ne3A_360, %ne3A_355 : i1
        %add3A_362 = arith.addi %rem3A, %select_n3A : i32
        %select_n3A_363 = arith.select %and3A_361, %add3A_362, %rem3A : i32
        %dma_wait3A_364 = arith.constant 2 : i32
        %dma_wait3A_365 = arith.constant 2 : i32
        %dma_wait3A_366 = arith.constant 0 : i32
        %dma_wait3A_367 = arith.constant 0 : i32
        %dma_wait3A_368 = tpu.memref_slice %arg10[%dma_wait3A_364, %dma_wait3A_366, %dma_wait3A_367] : memref<3x100x128xf32, #tpu.memory_space<vmem>> -> memref<1x100x128xf32, #tpu.memory_space<vmem>>
        %dma_wait3A_369 = tpu.memref_squeeze %dma_wait3A_368 : memref<1x100x128xf32, #tpu.memory_space<vmem>> -> memref<100x128xf32, #tpu.memory_space<vmem>>
        %dma_wait3A_370 = arith.constant 0 : i32
        %dma_wait3A_371 = tpu.memref_slice %arg8[%select_n3A_363, %dma_wait3A_370] : memref<4x100xi32, #tpu.memory_space<vmem>> -> memref<1x100xi32, #tpu.memory_space<vmem>>
        %dma_wait3A_372 = tpu.memref_squeeze %dma_wait3A_371 : memref<1x100xi32, #tpu.memory_space<vmem>> -> memref<100xi32, #tpu.memory_space<vmem>>
        %dma_wait3A_373 = arith.constant 0 : i32
        %dma_wait3A_374 = arith.constant 0 : i32
        %dma_wait3A_375 = tpu.memref_slice %arg2[%dma_wait3A_373, %dma_wait3A_374] : memref<10000x128xf32, #tpu.memory_space<hbm>> -> memref<10000x128xf32, #tpu.memory_space<hbm>>
        %dma_wait3A_376 = tpu.memref_slice %arg12[%dma_wait3A_365] : memref<3x!tpu.dma_semaphore, #tpu.memory_space<semaphore_mem>> -> memref<1x!tpu.dma_semaphore, #tpu.memory_space<semaphore_mem>>
        %dma_wait3A_377 = tpu.memref_squeeze %dma_wait3A_376 : memref<1x!tpu.dma_semaphore, #tpu.memory_space<semaphore_mem>> -> memref<!tpu.dma_semaphore, #tpu.memory_space<semaphore_mem>>
        tpu.wait_indirect_dma semaphore(%dma_wait3A_377 : memref<!tpu.dma_semaphore, #tpu.memory_space<semaphore_mem>>) src(%dma_wait3A_375 : memref<10000x128xf32, #tpu.memory_space<hbm>>) dst(%dma_wait3A_369 : memref<100x128xf32, #tpu.memory_space<vmem>>)
        %run_scoped3A = arith.constant 2 : i32
        "tpu.region"() ({
          %run_scoped3A_392 = tpu.sem_alloc : memref<!tpu.dma_semaphore, #tpu.memory_space<semaphore_mem>>
          %dma_start3A_393 = arith.constant 0 : i32
          %dma_start3A_394 = arith.constant 0 : i32
          %dma_start3A_395 = tpu.memref_slice %arg10[%run_scoped3A, %dma_start3A_393, %dma_start3A_394] : memref<3x100x128xf32, #tpu.memory_space<vmem>> -> memref<1x100x128xf32, #tpu.memory_space<vmem>>
          %dma_start3A_396 = tpu.memref_squeeze %dma_start3A_395 : memref<1x100x128xf32, #tpu.memory_space<vmem>> -> memref<100x128xf32, #tpu.memory_space<vmem>>
          %dma_start3A_397 = arith.constant 0 : i32
          %dma_start3A_398 = tpu.memref_slice %arg9[%select_n3A_363, %dma_start3A_397] : memref<4x100xi32, #tpu.memory_space<vmem>> -> memref<1x100xi32, #tpu.memory_space<vmem>>
          %dma_start3A_399 = tpu.memref_squeeze %dma_start3A_398 : memref<1x100xi32, #tpu.memory_space<vmem>> -> memref<100xi32, #tpu.memory_space<vmem>>
          %dma_start3A_400 = arith.constant 0 : i32
          %dma_start3A_401 = arith.constant 0 : i32
          %dma_start3A_402 = tpu.memref_slice %arg7[%dma_start3A_400, %dma_start3A_401] : memref<10000x128xf32, #tpu.memory_space<vmem_shared>> -> memref<10000x128xf32, #tpu.memory_space<vmem_shared>>
          tpu.enqueue_indirect_dma source(%dma_start3A_396 : memref<100x128xf32, #tpu.memory_space<vmem>>) target(%dma_start3A_402 : memref<10000x128xf32, #tpu.memory_space<vmem_shared>>) offsets(%dma_start3A_399 : memref<100xi32, #tpu.memory_space<vmem>>) semaphore(%run_scoped3A_392 : memref<!tpu.dma_semaphore, #tpu.memory_space<semaphore_mem>>) {add = true}
          %dma_wait3A_403 = arith.constant 0 : i32
          %dma_wait3A_404 = arith.constant 0 : i32
          %dma_wait3A_405 = tpu.memref_slice %arg10[%run_scoped3A, %dma_wait3A_403, %dma_wait3A_404] : memref<3x100x128xf32, #tpu.memory_space<vmem>> -> memref<1x100x128xf32, #tpu.memory_space<vmem>>
          %dma_wait3A_406 = tpu.memref_squeeze %dma_wait3A_405 : memref<1x100x128xf32, #tpu.memory_space<vmem>> -> memref<100x128xf32, #tpu.memory_space<vmem>>
          %dma_wait3A_407 = arith.constant 0 : i32
          %dma_wait3A_408 = tpu.memref_slice %arg9[%select_n3A_363, %dma_wait3A_407] : memref<4x100xi32, #tpu.memory_space<vmem>> -> memref<1x100xi32, #tpu.memory_space<vmem>>
          %dma_wait3A_409 = tpu.memref_squeeze %dma_wait3A_408 : memref<1x100xi32, #tpu.memory_space<vmem>> -> memref<100xi32, #tpu.memory_space<vmem>>
          %dma_wait3A_410 = arith.constant 0 : i32
          %dma_wait3A_411 = arith.constant 0 : i32
          %dma_wait3A_412 = tpu.memref_slice %arg7[%dma_wait3A_410, %dma_wait3A_411] : memref<10000x128xf32, #tpu.memory_space<vmem_shared>> -> memref<10000x128xf32, #tpu.memory_space<vmem_shared>>
          tpu.wait_indirect_dma semaphore(%run_scoped3A_392 : memref<!tpu.dma_semaphore, #tpu.memory_space<semaphore_mem>>) src(%dma_wait3A_406 : memref<100x128xf32, #tpu.memory_space<vmem>>) dst(%dma_wait3A_412 : memref<10000x128xf32, #tpu.memory_space<vmem_shared>>)
          tpu.yield
        }) : () -> ()
        %add3A_378 = arith.constant 4 : i32
        %add3A_379 = arith.addi %add3A_346, %add3A_378 : i32
        %lt3A_380 = arith.constant 100 : i32
        %lt3A_381 = arith.cmpi slt, %add3A_379, %lt3A_380 : i32
        %convert_element_type3A_382 = arith.extui %lt3A_381 : i1 to i32
        %cond3A_383 = arith.constant 0 : i32
        %cond3A_384 = arith.cmpi ne, %convert_element_type3A_382, %cond3A_383 : i32
        scf.if %cond3A_384 {
          %add3A_392 = arith.constant 4 : i32
          %add3A_393 = arith.addi %add3A_346, %add3A_392 : i32
          %dma_start3A_394 = arith.constant 0 : i32
          %dma_start3A_395 = tpu.memref_slice %arg8[%select_n3A_363, %dma_start3A_394] : memref<4x100xi32, #tpu.memory_space<vmem>> -> memref<1x100xi32, #tpu.memory_space<vmem>>
          %dma_start3A_396 = tpu.memref_squeeze %dma_start3A_395 : memref<1x100xi32, #tpu.memory_space<vmem>> -> memref<100xi32, #tpu.memory_space<vmem>>
          %dma_start3A_397 = arith.constant 0 : i32
          %dma_start3A_398 = tpu.memref_slice %arg4[%add3A, %add3A_393, %dma_start3A_397] : memref<32x100x100xi32, #tpu.memory_space<hbm>> -> memref<1x1x100xi32, #tpu.memory_space<hbm>>
          %dma_start3A_399 = tpu.memref_squeeze %dma_start3A_398 : memref<1x1x100xi32, #tpu.memory_space<hbm>> -> memref<100xi32, #tpu.memory_space<hbm>>
          %dma_start3A_400 = tpu.memref_slice %arg11[%select_n3A_363] : memref<4x!tpu.dma_semaphore, #tpu.memory_space<semaphore_mem>> -> memref<1x!tpu.dma_semaphore, #tpu.memory_space<semaphore_mem>>
          %dma_start3A_401 = tpu.memref_squeeze %dma_start3A_400 : memref<1x!tpu.dma_semaphore, #tpu.memory_space<semaphore_mem>> -> memref<!tpu.dma_semaphore, #tpu.memory_space<semaphore_mem>>
          %dma_start3A_402 = arith.constant 0 : i32
          %dma_start3A_403 = tpu.memref_slice %arg8[%select_n3A_363, %dma_start3A_402] : memref<4x100xi32, #tpu.memory_space<vmem>> -> memref<1x100xi32, #tpu.memory_space<vmem>>
          %dma_start3A_404 = tpu.memref_squeeze %dma_start3A_403 : memref<1x100xi32, #tpu.memory_space<vmem>> -> memref<100xi32, #tpu.memory_space<vmem>>
          %dma_start3A_405 = arith.constant 0 : i32
          %dma_start3A_406 = tpu.memref_slice %arg4[%add3A, %add3A_393, %dma_start3A_405] : memref<32x100x100xi32, #tpu.memory_space<hbm>> -> memref<1x1x100xi32, #tpu.memory_space<hbm>>
          %dma_start3A_407 = tpu.memref_squeeze %dma_start3A_406 : memref<1x1x100xi32, #tpu.memory_space<hbm>> -> memref<100xi32, #tpu.memory_space<hbm>>
          tpu.enqueue_dma source(%dma_start3A_407 : memref<100xi32, #tpu.memory_space<hbm>>) target(%dma_start3A_404 : memref<100xi32, #tpu.memory_space<vmem>>) target_semaphore(%dma_start3A_401 : memref<!tpu.dma_semaphore, #tpu.memory_space<semaphore_mem>>)
          %dma_start3A_408 = arith.constant 0 : i32
          %dma_start3A_409 = tpu.memref_slice %arg9[%select_n3A_363, %dma_start3A_408] : memref<4x100xi32, #tpu.memory_space<vmem>> -> memref<1x100xi32, #tpu.memory_space<vmem>>
          %dma_start3A_410 = tpu.memref_squeeze %dma_start3A_409 : memref<1x100xi32, #tpu.memory_space<vmem>> -> memref<100xi32, #tpu.memory_space<vmem>>
          %dma_start3A_411 = arith.constant 0 : i32
          %dma_start3A_412 = tpu.memref_slice %arg5[%add3A, %add3A_393, %dma_start3A_411] : memref<32x100x100xi32, #tpu.memory_space<hbm>> -> memref<1x1x100xi32, #tpu.memory_space<hbm>>
          %dma_start3A_413 = tpu.memref_squeeze %dma_start3A_412 : memref<1x1x100xi32, #tpu.memory_space<hbm>> -> memref<100xi32, #tpu.memory_space<hbm>>
          %dma_start3A_414 = tpu.memref_slice %arg11[%select_n3A_363] : memref<4x!tpu.dma_semaphore, #tpu.memory_space<semaphore_mem>> -> memref<1x!tpu.dma_semaphore, #tpu.memory_space<semaphore_mem>>
          %dma_start3A_415 = tpu.memref_squeeze %dma_start3A_414 : memref<1x!tpu.dma_semaphore, #tpu.memory_space<semaphore_mem>> -> memref<!tpu.dma_semaphore, #tpu.memory_space<semaphore_mem>>
          %dma_start3A_416 = arith.constant 0 : i32
          %dma_start3A_417 = tpu.memref_slice %arg9[%select_n3A_363, %dma_start3A_416] : memref<4x100xi32, #tpu.memory_space<vmem>> -> memref<1x100xi32, #tpu.memory_space<vmem>>
          %dma_start3A_418 = tpu.memref_squeeze %dma_start3A_417 : memref<1x100xi32, #tpu.memory_space<vmem>> -> memref<100xi32, #tpu.memory_space<vmem>>
          %dma_start3A_419 = arith.constant 0 : i32
          %dma_start3A_420 = tpu.memref_slice %arg5[%add3A, %add3A_393, %dma_start3A_419] : memref<32x100x100xi32, #tpu.memory_space<hbm>> -> memref<1x1x100xi32, #tpu.memory_space<hbm>>
          %dma_start3A_421 = tpu.memref_squeeze %dma_start3A_420 : memref<1x1x100xi32, #tpu.memory_space<hbm>> -> memref<100xi32, #tpu.memory_space<hbm>>
          tpu.enqueue_dma source(%dma_start3A_421 : memref<100xi32, #tpu.memory_space<hbm>>) target(%dma_start3A_418 : memref<100xi32, #tpu.memory_space<vmem>>) target_semaphore(%dma_start3A_415 : memref<!tpu.dma_semaphore, #tpu.memory_space<semaphore_mem>>)
        } else {
        }
        %add3A_385 = arith.constant 3 : i32
        %add3A_386 = arith.addi %add3A_346, %add3A_385 : i32
        %lt3A_387 = arith.constant 100 : i32
        %lt3A_388 = arith.cmpi slt, %add3A_386, %lt3A_387 : i32
        %convert_element_type3A_389 = arith.extui %lt3A_388 : i1 to i32
        %cond3A_390 = arith.constant 0 : i32
        %cond3A_391 = arith.cmpi ne, %convert_element_type3A_389, %cond3A_390 : i32
        scf.if %cond3A_391 {
          %add3A_392 = arith.constant 3 : i32
          %add3A_393 = arith.addi %add3A_346, %add3A_392 : i32
          %jit3A_394 = arith.constant 4 : i32
          %eq3A_395 = arith.constant 0 : i32
          %eq3A_396 = arith.cmpi eq, %jit3A_394, %eq3A_395 : i32
          %jit3A_397 = arith.constant 1 : i32
          %select_n3A_398 = arith.select %eq3A_396, %jit3A_397, %jit3A_394 : i32
          %rem3A_399 = arith.remsi %add3A_393, %select_n3A_398 : i32
          %ne3A_400 = arith.constant 0 : i32
          %ne3A_401 = arith.cmpi ne, %rem3A_399, %ne3A_400 : i32
          %lt3A_402 = arith.constant 0 : i32
          %lt3A_403 = arith.cmpi slt, %rem3A_399, %lt3A_402 : i32
          %lt3A_404 = arith.constant 0 : i32
          %lt3A_405 = arith.cmpi slt, %select_n3A_398, %lt3A_404 : i32
          %ne3A_406 = arith.xori %lt3A_403, %lt3A_405 : i1
          %and3A_407 = arith.andi %ne3A_406, %ne3A_401 : i1
          %add3A_408 = arith.addi %rem3A_399, %select_n3A_398 : i32
          %select_n3A_409 = arith.select %and3A_407, %add3A_408, %rem3A_399 : i32
          %add3A_410 = arith.constant 3 : i32
          %add3A_411 = arith.addi %add3A_346, %add3A_410 : i32
          %dma_wait3A_412 = arith.constant 0 : i32
          %dma_wait3A_413 = tpu.memref_slice %arg8[%select_n3A_409, %dma_wait3A_412] : memref<4x100xi32, #tpu.memory_space<vmem>> -> memref<1x100xi32, #tpu.memory_space<vmem>>
          %dma_wait3A_414 = tpu.memref_squeeze %dma_wait3A_413 : memref<1x100xi32, #tpu.memory_space<vmem>> -> memref<100xi32, #tpu.memory_space<vmem>>
          %dma_wait3A_415 = arith.constant 0 : i32
          %dma_wait3A_416 = tpu.memref_slice %arg4[%add3A, %add3A_411, %dma_wait3A_415] : memref<32x100x100xi32, #tpu.memory_space<hbm>> -> memref<1x1x100xi32, #tpu.memory_space<hbm>>
          %dma_wait3A_417 = tpu.memref_squeeze %dma_wait3A_416 : memref<1x1x100xi32, #tpu.memory_space<hbm>> -> memref<100xi32, #tpu.memory_space<hbm>>
          %dma_wait3A_418 = tpu.memref_slice %arg11[%select_n3A_409] : memref<4x!tpu.dma_semaphore, #tpu.memory_space<semaphore_mem>> -> memref<1x!tpu.dma_semaphore, #tpu.memory_space<semaphore_mem>>
          %dma_wait3A_419 = tpu.memref_squeeze %dma_wait3A_418 : memref<1x!tpu.dma_semaphore, #tpu.memory_space<semaphore_mem>> -> memref<!tpu.dma_semaphore, #tpu.memory_space<semaphore_mem>>
          %dma_wait3A_420 = arith.constant 0 : i32
          %dma_wait3A_421 = tpu.memref_slice %arg8[%select_n3A_409, %dma_wait3A_420] : memref<4x100xi32, #tpu.memory_space<vmem>> -> memref<1x100xi32, #tpu.memory_space<vmem>>
          %dma_wait3A_422 = tpu.memref_squeeze %dma_wait3A_421 : memref<1x100xi32, #tpu.memory_space<vmem>> -> memref<100xi32, #tpu.memory_space<vmem>>
          %dma_wait3A_423 = arith.constant 0 : i32
          %dma_wait3A_424 = tpu.memref_slice %arg4[%add3A, %add3A_411, %dma_wait3A_423] : memref<32x100x100xi32, #tpu.memory_space<hbm>> -> memref<1x1x100xi32, #tpu.memory_space<hbm>>
          %dma_wait3A_425 = tpu.memref_squeeze %dma_wait3A_424 : memref<1x1x100xi32, #tpu.memory_space<hbm>> -> memref<100xi32, #tpu.memory_space<hbm>>
          tpu.wait_dma2 semaphore(%dma_wait3A_419 : memref<!tpu.dma_semaphore, #tpu.memory_space<semaphore_mem>>) src(%dma_wait3A_425 : memref<100xi32, #tpu.memory_space<hbm>>) dst(%dma_wait3A_422 : memref<100xi32, #tpu.memory_space<vmem>>)
          %dma_wait3A_426 = arith.constant 0 : i32
          %dma_wait3A_427 = tpu.memref_slice %arg9[%select_n3A_409, %dma_wait3A_426] : memref<4x100xi32, #tpu.memory_space<vmem>> -> memref<1x100xi32, #tpu.memory_space<vmem>>
          %dma_wait3A_428 = tpu.memref_squeeze %dma_wait3A_427 : memref<1x100xi32, #tpu.memory_space<vmem>> -> memref<100xi32, #tpu.memory_space<vmem>>
          %dma_wait3A_429 = arith.constant 0 : i32
          %dma_wait3A_430 = tpu.memref_slice %arg5[%add3A, %add3A_411, %dma_wait3A_429] : memref<32x100x100xi32, #tpu.memory_space<hbm>> -> memref<1x1x100xi32, #tpu.memory_space<hbm>>
          %dma_wait3A_431 = tpu.memref_squeeze %dma_wait3A_430 : memref<1x1x100xi32, #tpu.memory_space<hbm>> -> memref<100xi32, #tpu.memory_space<hbm>>
          %dma_wait3A_432 = tpu.memref_slice %arg11[%select_n3A_409] : memref<4x!tpu.dma_semaphore, #tpu.memory_space<semaphore_mem>> -> memref<1x!tpu.dma_semaphore, #tpu.memory_space<semaphore_mem>>
          %dma_wait3A_433 = tpu.memref_squeeze %dma_wait3A_432 : memref<1x!tpu.dma_semaphore, #tpu.memory_space<semaphore_mem>> -> memref<!tpu.dma_semaphore, #tpu.memory_space<semaphore_mem>>
          %dma_wait3A_434 = arith.constant 0 : i32
          %dma_wait3A_435 = tpu.memref_slice %arg9[%select_n3A_409, %dma_wait3A_434] : memref<4x100xi32, #tpu.memory_space<vmem>> -> memref<1x100xi32, #tpu.memory_space<vmem>>
          %dma_wait3A_436 = tpu.memref_squeeze %dma_wait3A_435 : memref<1x100xi32, #tpu.memory_space<vmem>> -> memref<100xi32, #tpu.memory_space<vmem>>
          %dma_wait3A_437 = arith.constant 0 : i32
          %dma_wait3A_438 = tpu.memref_slice %arg5[%add3A, %add3A_411, %dma_wait3A_437] : memref<32x100x100xi32, #tpu.memory_space<hbm>> -> memref<1x1x100xi32, #tpu.memory_space<hbm>>
          %dma_wait3A_439 = tpu.memref_squeeze %dma_wait3A_438 : memref<1x1x100xi32, #tpu.memory_space<hbm>> -> memref<100xi32, #tpu.memory_space<hbm>>
          tpu.wait_dma2 semaphore(%dma_wait3A_433 : memref<!tpu.dma_semaphore, #tpu.memory_space<semaphore_mem>>) src(%dma_wait3A_439 : memref<100xi32, #tpu.memory_space<hbm>>) dst(%dma_wait3A_436 : memref<100xi32, #tpu.memory_space<vmem>>)
          %add3A_440 = arith.constant 3 : i32
          %add3A_441 = arith.addi %add3A_346, %add3A_440 : i32
          %dma_start3A_442 = arith.constant 2 : i32
          %dma_start3A_443 = arith.constant 2 : i32
          %dma_start3A_444 = arith.constant 0 : i32
          %dma_start3A_445 = arith.constant 0 : i32
          %dma_start3A_446 = tpu.memref_slice %arg10[%dma_start3A_442, %dma_start3A_444, %dma_start3A_445] : memref<3x100x128xf32, #tpu.memory_space<vmem>> -> memref<1x100x128xf32, #tpu.memory_space<vmem>>
          %dma_start3A_447 = tpu.memref_squeeze %dma_start3A_446 : memref<1x100x128xf32, #tpu.memory_space<vmem>> -> memref<100x128xf32, #tpu.memory_space<vmem>>
          %dma_start3A_448 = arith.constant 0 : i32
          %dma_start3A_449 = tpu.memref_slice %arg8[%select_n3A_409, %dma_start3A_448] : memref<4x100xi32, #tpu.memory_space<vmem>> -> memref<1x100xi32, #tpu.memory_space<vmem>>
          %dma_start3A_450 = tpu.memref_squeeze %dma_start3A_449 : memref<1x100xi32, #tpu.memory_space<vmem>> -> memref<100xi32, #tpu.memory_space<vmem>>
          %dma_start3A_451 = arith.constant 0 : i32
          %dma_start3A_452 = arith.constant 0 : i32
          %dma_start3A_453 = tpu.memref_slice %arg2[%dma_start3A_451, %dma_start3A_452] : memref<10000x128xf32, #tpu.memory_space<hbm>> -> memref<10000x128xf32, #tpu.memory_space<hbm>>
          %dma_start3A_454 = tpu.memref_slice %arg12[%dma_start3A_443] : memref<3x!tpu.dma_semaphore, #tpu.memory_space<semaphore_mem>> -> memref<1x!tpu.dma_semaphore, #tpu.memory_space<semaphore_mem>>
          %dma_start3A_455 = tpu.memref_squeeze %dma_start3A_454 : memref<1x!tpu.dma_semaphore, #tpu.memory_space<semaphore_mem>> -> memref<!tpu.dma_semaphore, #tpu.memory_space<semaphore_mem>>
          tpu.enqueue_indirect_dma source(%dma_start3A_453 : memref<10000x128xf32, #tpu.memory_space<hbm>>) target(%dma_start3A_447 : memref<100x128xf32, #tpu.memory_space<vmem>>) offsets(%dma_start3A_450 : memref<100xi32, #tpu.memory_space<vmem>>) semaphore(%dma_start3A_455 : memref<!tpu.dma_semaphore, #tpu.memory_space<semaphore_mem>>)
        } else {
        }
      } else {
      }
    }
    %scan3A_314 = arith.constant 34 : i32
    %barrier3A_315 = arith.constant 0 : index
    tpu.barrier barrier_id(%barrier3A_315)
    %lt3A_316 = arith.constant 15 : i32
    %lt3A_317 = arith.cmpi slt, %arg1, %lt3A_316 : i32
    %convert_element_type3A_318 = arith.extui %lt3A_317 : i1 to i32
    %cond3A_319 = arith.constant 0 : i32
    %cond3A_320 = arith.cmpi ne, %convert_element_type3A_318, %cond3A_319 : i32
    scf.if %cond3A_320 {
      "tpu.region"() ({
        %run_scoped3A = tpu.sem_alloc : memref<!tpu.dma_semaphore, #tpu.memory_space<semaphore_mem>>
        %dma_start3A_326 = arith.constant 0 : i32
        %dma_start3A_327 = tpu.memref_slice %arg6[%arg0, %mul3A_2, %dma_start3A_326] : memref<2x10000x128xf32, #tpu.memory_space<hbm>> -> memref<1x632x128xf32, #tpu.memory_space<hbm>>
        %dma_start3A_328 = tpu.memref_squeeze %dma_start3A_327 : memref<1x632x128xf32, #tpu.memory_space<hbm>> -> memref<632x128xf32, #tpu.memory_space<hbm>>
        %dma_start3A_329 = arith.constant 0 : i32
        %dma_start3A_330 = tpu.memref_slice %arg7[%mul3A_2, %dma_start3A_329] : memref<10000x128xf32, #tpu.memory_space<vmem_shared>> -> memref<632x128xf32, #tpu.memory_space<vmem_shared>>
        tpu.enqueue_dma source(%dma_start3A_330 : memref<632x128xf32, #tpu.memory_space<vmem_shared>>) target(%dma_start3A_328 : memref<632x128xf32, #tpu.memory_space<hbm>>) target_semaphore(%run_scoped3A : memref<!tpu.dma_semaphore, #tpu.memory_space<semaphore_mem>>)
        %dma_wait3A_331 = arith.constant 0 : i32
        %dma_wait3A_332 = tpu.memref_slice %arg6[%arg0, %mul3A_2, %dma_wait3A_331] : memref<2x10000x128xf32, #tpu.memory_space<hbm>> -> memref<1x632x128xf32, #tpu.memory_space<hbm>>
        %dma_wait3A_333 = tpu.memref_squeeze %dma_wait3A_332 : memref<1x632x128xf32, #tpu.memory_space<hbm>> -> memref<632x128xf32, #tpu.memory_space<hbm>>
        %dma_wait3A_334 = arith.constant 0 : i32
        %dma_wait3A_335 = tpu.memref_slice %arg7[%mul3A_2, %dma_wait3A_334] : memref<10000x128xf32, #tpu.memory_space<vmem_shared>> -> memref<632x128xf32, #tpu.memory_space<vmem_shared>>
        tpu.wait_dma2 semaphore(%run_scoped3A : memref<!tpu.dma_semaphore, #tpu.memory_space<semaphore_mem>>) src(%dma_wait3A_335 : memref<632x128xf32, #tpu.memory_space<vmem_shared>>) dst(%dma_wait3A_333 : memref<632x128xf32, #tpu.memory_space<hbm>>)
        tpu.yield
      }) : () -> ()
    } else {
    }
    %eq3A_321 = arith.constant 15 : i32
    %eq3A_322 = arith.cmpi eq, %arg1, %eq3A_321 : i32
    %convert_element_type3A_323 = arith.extui %eq3A_322 : i1 to i32
    %cond3A_324 = arith.constant 0 : i32
    %cond3A_325 = arith.cmpi ne, %convert_element_type3A_323, %cond3A_324 : i32
    scf.if %cond3A_325 {
      "tpu.region"() ({
        %run_scoped3A = tpu.sem_alloc : memref<!tpu.dma_semaphore, #tpu.memory_space<semaphore_mem>>
        %dma_start3A_326 = arith.constant 0 : i32
        %dma_start3A_327 = tpu.memref_slice %arg6[%arg0, %mul3A_2, %dma_start3A_326] : memref<2x10000x128xf32, #tpu.memory_space<hbm>> -> memref<1x520x128xf32, #tpu.memory_space<hbm>>
        %dma_start3A_328 = tpu.memref_squeeze %dma_start3A_327 : memref<1x520x128xf32, #tpu.memory_space<hbm>> -> memref<520x128xf32, #tpu.memory_space<hbm>>
        %dma_start3A_329 = arith.constant 0 : i32
        %dma_start3A_330 = tpu.memref_slice %arg7[%mul3A_2, %dma_start3A_329] : memref<10000x128xf32, #tpu.memory_space<vmem_shared>> -> memref<520x128xf32, #tpu.memory_space<vmem_shared>>
        tpu.enqueue_dma source(%dma_start3A_330 : memref<520x128xf32, #tpu.memory_space<vmem_shared>>) target(%dma_start3A_328 : memref<520x128xf32, #tpu.memory_space<hbm>>) target_semaphore(%run_scoped3A : memref<!tpu.dma_semaphore, #tpu.memory_space<semaphore_mem>>)
        %dma_wait3A_331 = arith.constant 0 : i32
        %dma_wait3A_332 = tpu.memref_slice %arg6[%arg0, %mul3A_2, %dma_wait3A_331] : memref<2x10000x128xf32, #tpu.memory_space<hbm>> -> memref<1x520x128xf32, #tpu.memory_space<hbm>>
        %dma_wait3A_333 = tpu.memref_squeeze %dma_wait3A_332 : memref<1x520x128xf32, #tpu.memory_space<hbm>> -> memref<520x128xf32, #tpu.memory_space<hbm>>
        %dma_wait3A_334 = arith.constant 0 : i32
        %dma_wait3A_335 = tpu.memref_slice %arg7[%mul3A_2, %dma_wait3A_334] : memref<10000x128xf32, #tpu.memory_space<vmem_shared>> -> memref<520x128xf32, #tpu.memory_space<vmem_shared>>
        tpu.wait_dma2 semaphore(%run_scoped3A : memref<!tpu.dma_semaphore, #tpu.memory_space<semaphore_mem>>) src(%dma_wait3A_335 : memref<520x128xf32, #tpu.memory_space<vmem_shared>>) dst(%dma_wait3A_333 : memref<520x128xf32, #tpu.memory_space<hbm>>)
        tpu.yield
      }) : () -> ()
    } else {
    }
    return
  }
}

</mosaic_0001>

<sc_bundles>
// kernel: _aggregate.3.cloned.1.call-start
scs
__scs_entry_jumppad:
0x0: {  	(pc) =	sbr.rel $0x88, $3  }
0x1: {  	(tag) =	ssettag $0x0;
	lr =	simm.s32 $0x1  }
0x2: {  	[smem:$0x3F9D] =	sst lr;
	_ =	strace $0xD0000000  }
0x3: {  	_ = 	snop  }
0x4: {  	_ = 	snop  }
0x5: {  	_ = 	snop  }
0x6: {  	_ = 	snop  }
0x7: {  	_ = 	snop  }
__scs_overlays_trampoline_lowered:
0x8: {  	[smem:$0x3FAC] =	sst s0  }
0x9: {  	[smem:$0x3FAD] =	sst s1  }
0xa: {  	[smem:$0x3FAE] =	sst s2  }
0xb: {  	[smem:$0x3FAF] =	sst s3  }
0xc: {  	[smem:$0x3FB0] =	sst s4  }
0xd: {  	[smem:$0x3FB1] =	sst s5  }
0xe: {  	[smem:$0x3FB2] =	sst s6  }
0xf: {  	[smem:$0x3FB3] =	sst s7  }
0x10: {  	[smem:$0x3FB4] =	sst s8  }
0x11: {  	[smem:$0x3FB5] =	sst s9;
	s0 =	simm.s32 @!p0 $0x0  }
0x12: {  	s1 =	sld [smem:$0x3F9B];
	s0 =	simm.s32 @p0 $0x1  }
0x13: {  	[smem:$0x3FB6] =	sst s0;
	s0 =	simm.s32 @!p1 $0x0  }
0x14: {  	s2 =	sld [smem:$0x3F9A];
	s0 =	simm.s32 @p1 $0x1  }
0x15: {  	[smem:$0x3FB7] =	sst s0;
	s0 =	simm.s32 @!p2 $0x0  }
0x16: {  	s3 =	sld [smem:$0x3FDB];
	s0 =	simm.s32 @p2 $0x1  }
0x17: {  	s4 =	simm.s32 $0x1BF5;
	[smem:$0x3FB9] =	sst s0  }
0x18: {  	s0 =	sld [smem:$0x3F9C];
	_ =	swait.ge [sflag:s4], $0x0  }
0x19: {  	s7 =	sld [smem:$0x3F9D]  }
0x1a: {  	s8 =	sadd.s32 $0xFFFFE003, lr  }
0x1b: {  	s9 =	sadd.s32 $0xFFFFFEF7, lr;
	s5 =	simm.s32 $0xFFFFFFFF;
	p2 =	slt.u32 s8, $0xFFFFF086  }
0x1c: {  	p1 =	slt.u32 s9, $0xF7A;
	s5 =	simm.s32 @!p2 $0x0  }
0x1d: {  	s5 =	simm.s32 @p1 $0x1;
	p0 =	seq.s32 s7, s2  }
0x1e: {  	s7 =	smul.u32 @!p0 $0xF7A, s2;
	p2 =	seq.s32 @!p0 s5, $0x0  }
0x1f: {  	s9 =	smul.u32 $0xF7A, s1;
	s8 =	simm.s32 @!p0 $0x1BF5;
	p2 =	por !p2, p0  }
0x20: {  	[sflag:s8] =	ssyncset.s32 @!p0 $0xFFFFF086;
	s6 =	sadd.s32 @!p0 s3, s7;
	s7 =	simm.s32 @!p0 $0x108  }
0x21: {  	s3 =	sadd.s32 s3, s9;
	s6 =	sadd.s32 @!p0 $0x88, s6;
	s7 =	simm.s32 @p2 $0x1082  }
0x22: {  	[simem:s7], [sflag:s8] =	dma.local @!p0 [hbm:s6], $0xF7A  }
0x23: {  	s9 =	sor.u32 $0xD0000000, s2;
	s6 =	simm.s32 $0x108;
	_ =	swait.ge @!p0 [sflag:s8], $0x0  }
0x24: {  	s3 =	sadd.s32 $0x88, s3;
	s6 =	simm.s32 @!p1 $0x1082;
	[sflag:s4] =	ssyncset.s32 $0xFFFFF086  }
0x25: {  	[simem:s6], [sflag:s4] =	dma.local [hbm:s3], $0xF7A  }
0x26: {  	[smem:$0x3F9D] =	sst s1;
	(tag) =	ssettag s2;
	_ =	strace s9  }
0x27: {  	s1 =	sld [smem:$0x3FAD]  }
0x28: {  	s2 =	sld [smem:$0x3FAE]  }
0x29: {  	s4 =	sld [smem:$0x3FB0]  }
0x2a: {  	p0 =	seq.s32 s5, $0x0;
	s5 =	sld [smem:$0x3FB1]  }
0x2b: {  	s6 =	sld [smem:$0x3FB2]  }
0x2c: {  	s7 =	sld [smem:$0x3FB3]  }
0x2d: {  	s3 =	simm.s32 $0x108;
	s8 =	sld [smem:$0x3FB4]  }
0x2e: {  	s3 =	simm.s32 @!p0 $0x1082;
	s9 =	sld [smem:$0x3FB5]  }
0x2f: {  	lr =	sadd.s32 s0, s3;
	s0 =	sld [smem:$0x3FAC]  }
0x30: {  	s3 =	sld [smem:$0x3FAF]  }
0x31: {  	[smem:$0x3FB8] =	sst s10  }
0x32: {  	s10 =	sld [smem:$0x3FB6];
	_ =	sdelay $0x3  }
0x33: {  	p0 =	seq.s32 s10, $0x1;
	s10 =	sld [smem:$0x3FB8];
	_ =	sdelay $0x3  }
0x34: {  	[smem:$0x3FB8] =	sst s10  }
0x35: {  	s10 =	sld [smem:$0x3FB7];
	_ =	sdelay $0x3  }
0x36: {  	p1 =	seq.s32 s10, $0x1;
	s10 =	sld [smem:$0x3FB8];
	_ =	sdelay $0x3  }
0x37: {  	[smem:$0x3FB8] =	sst s10  }
0x38: {  	s10 =	sld [smem:$0x3FB9]  }
0x39: {  	_ = 	snop;
	(pc) =	sbr.ind lr, $3  }
0x3a: {  	_ = 	snop  }
0x3b: {  	_ = 	snop  }
0x3c: {  	p2 =	seq.s32 s10, $0x1;
	s10 =	sld [smem:$0x3FB8]  }
0x3d: {  	_ =	shalt  }
0x3e: {  	_ =	shalt  }
0x3f: {  	_ =	shalt  }
0x40: {  	_ =	shalt  }
0x41: {  	_ =	shalt  }
0x42: {  	_ =	shalt  }
0x43: {  	_ =	shalt  }
0x44: {  	_ =	shalt  }
0x45: {  	_ =	shalt  }
0x46: {  	_ =	shalt  }
0x47: {  	_ =	shalt  }
0x48: {  	_ =	shalt  }
0x49: {  	_ =	shalt  }
0x4a: {  	_ =	shalt  }
0x4b: {  	_ =	shalt  }
0x4c: {  	_ =	shalt  }
0x4d: {  	_ =	shalt  }
0x4e: {  	_ =	shalt  }
0x4f: {  	_ =	shalt  }
0x50: {  	_ =	shalt  }
0x51: {  	_ =	shalt  }
0x52: {  	_ =	shalt  }
0x53: {  	_ =	shalt  }
0x54: {  	_ =	shalt  }
0x55: {  	_ =	shalt  }
0x56: {  	_ =	shalt  }
0x57: {  	_ =	shalt  }
0x58: {  	_ =	shalt  }
0x59: {  	_ =	shalt  }
0x5a: {  	_ =	shalt  }
0x5b: {  	_ =	shalt  }
0x5c: {  	_ =	shalt  }
0x5d: {  	_ =	shalt  }
0x5e: {  	_ =	shalt  }
0x5f: {  	_ =	shalt  }
0x60: {  	_ =	shalt  }
0x61: {  	_ =	shalt  }
0x62: {  	_ =	shalt  }
0x63: {  	_ =	shalt  }
0x64: {  	_ =	shalt  }
0x65: {  	_ =	shalt  }
0x66: {  	_ =	shalt  }
0x67: {  	_ =	shalt  }
0x68: {  	_ =	shalt  }
0x69: {  	_ =	shalt  }
0x6a: {  	_ =	shalt  }
0x6b: {  	_ =	shalt  }
0x6c: {  	_ =	shalt  }
0x6d: {  	_ =	shalt  }
0x6e: {  	_ =	shalt  }
0x6f: {  	_ =	shalt  }
0x70: {  	_ =	shalt  }
0x71: {  	_ =	shalt  }
0x72: {  	_ =	shalt  }
0x73: {  	_ =	shalt  }
0x74: {  	_ =	shalt  }
0x75: {  	_ =	shalt  }
0x76: {  	_ =	shalt  }
0x77: {  	_ =	shalt  }
0x78: {  	_ =	shalt  }
0x79: {  	_ =	shalt  }
0x7a: {  	_ =	shalt  }
0x7b: {  	_ =	shalt  }
0x7c: {  	_ =	shalt  }
0x7d: {  	_ =	shalt  }
0x7e: {  	_ =	shalt  }
0x7f: {  	_ =	shalt  }
0x80: {  	_ =	shalt  }
0x81: {  	_ =	shalt  }
0x82: {  	_ =	shalt  }
0x83: {  	_ =	shalt  }
0x84: {  	_ =	shalt  }
0x85: {  	_ =	shalt  }
0x86: {  	_ =	shalt  }
0x87: {  	_ =	shalt  }
.Lfunc_end0:
.L_simem_size_0:
called_computation_lowered:
.L_overlay_start_0:
0x88: {  	s2 =	sld [smem:$0x3FD9]  }
0x89: {  	s3 =	sld [smem:$0x3FFE];
	_ =	sdelay $0x1  }
0x8a: {  	s1 =	srdreg.scid  }
0x8b: {  	s0 =	sand.u32 $0x1, s1  }
0x8c: {  	s17 =	sshll.u32 s0, $0xA;
	s2 =	sadd.s32 s3, s2  }
0x8d: {  	s2 =	sadd.s32 s2, s17  }
0x8e: {  	[smem:$0x3FC4] =	sst s2  }
0x8f: {  	_ = 	snop  }
0x90: {  	s2 =	sld [smem:$0x3FC9]  }
0x91: {  	s18 =	sld [smem:$0x3FC8]  }
0x92: {  	s4 =	sld [smem:$0x3FD0];
	(tm) =	ssettm $0x1  }
0x93: {  	s5 =	sld [smem:$0x3FFB];
	_ =	sdelay $0x3  }
0x94: {  	_ =	strace s5  }
0x95: {  	s5 =	sld [smem:$0x3FFC];
	_ =	sdelay $0x3  }
0x96: {  	_ =	strace s5  }
0x97: {  	s5 =	sld [smem:$0x3FFD];
	_ =	sdelay $0x3  }
0x98: {  	_ =	strace s5  }
0x99: {  	_ =	strace $0x8FFFFFFF  }
0x9a: {  	s19 =	sld [smem:$0x3FDB];
	_ =	sdelay $0x1  }
0x9b: {  	s6 =	simm.s32 $_scs_section_size  }
0x9c: {  	s7 =	simm.s32 $_size__tile_overlayer_lowered;
	s8 =	simm.s32 $_tile_overlayer_lowered  }
0x9d: {  	s22 =	simm.s32 $0x1BFF;
	s21 =	sshll.u32 s8, $0x1;
	s5 =	sadd.s32 s6, s19  }
0x9e: {  	s9 =	simm.s32 $0x0;
	s20 =	sshll.u32 s7, $0x1;
	s7 =	sadd.s32 s21, s5  }
0x9f: {  	[timem:s9], [sflag:s22] =	dma.local [hbm:s7], s20  }
0xa0: {  	_ =	swait.ge [sflag:s22], s20  }
0xa1: {  	s6 =	ssub.s32 $0x0, s20;
	[sflag:s22] =	ssyncset.done $0x0  }
0xa2: {  	[sflag:s22] =	ssyncadd.s32 s6;
	_ =	sdelay $0x1  }
0xa3: {  	s23 =	simm.s32 $0x1B8B  }
0xa4: {  	_ =	swait.ge [sflag:s23], $0x1  }
0xa5: {  	[sflag:s23] =	ssyncset.done $0x0  }
0xa6: {  	s25 =	simm.s32 $0x1B8E;
	s24 =	sld [smem:$0x3FFE];
	[sflag:s23] =	ssyncadd.s32 $0xFFFFFFFF  }
0xa7: {  	s26 =	simm.s32 $execute0_lowered;
	[smem:$0x3FD2] =	sst s25  }
0xa8: {  	s7 =	sshll.u32 s26, $0x1;
	_ =	strace $0x80000046;
	[dreg:$0x1] =	wrdreg $0xFFFFFFFF  }
0xa9: {  	s28 =	simm.s32 $_size_execute0_lowered;
	s5 =	sadd.s32 s5, s7;
	[dreg:$0x0] =	wrdreg $0x0  }
0xaa: {  	s7 =	sshll.u32 s28, $0x1;
	[dreg:$0x2] =	wrdreg s5  }
0xab: {  	[dreg:$0x3] =	wrdreg s7  }
0xac: {  	[dreg:$0x4] =	wrdreg $0xC0  }
0xad: {  	_ =	task [dreg:s9], $0x5FFFF  }
0xae: {  	[dreg:$0x1] =	wrdreg $0xFFFFFFFF  }
0xaf: {  	[dreg:$0x0] =	wrdreg $0x60  }
0xb0: {  	[dreg:$0x2] =	wrdreg s2  }
0xb1: {  	[dreg:$0x3] =	wrdreg s18  }
0xb2: {  	[dreg:$0x4] =	wrdreg s24  }
0xb3: {  	[dreg:$0x5] =	wrdreg s4  }
0xb4: {  	[dreg:$0x6] =	wrdreg $0x0  }
0xb5: {  	[dreg:$0x7] =	wrdreg $0x9  }
0xb6: {  	_ =	task.clear_ibuf [dreg:s9], $0x8FFFF;
	_ =	strace $0x90000046  }
0xb7: {  	s29 =	simm.s32 $0x9;
	_ =	strace $0x80000048  }
0xb8: {  	_ =	swait.ge [sflag:s29], $0x1  }
0xb9: {  	[sflag:s29] =	ssyncadd.s32 $0xFFFFFFFF  }
0xba: {  	_ =	strace $0x90000048  }
0xbb: {  	_ =	sfence  }
0xbc: {  	s30 =	sld [smem:$0x0];
	_ =	sdelay $0x2  }
0xbd: {  	s31 =	sshll.u32 s1, $0xD;
	s1 =	sshrl.u32 s1, $0x2  }
0xbe: {  	s3 =	sand.u32 $0x4000, s31;
	s1 =	sadd.s32 s1, s30  }
0xbf: {  	s0 =	sor.u32 s3, s0;
	s1 =	sshll.u32 s1, $0x11  }
0xc0: {  	s0 =	sor.u32 s1, s0  }
0xc1: {  	s0 =	sadd.s32 $0x8F2B, s0  }
0xc2: {  	[sflag:s0] =	ssyncadd.remote.s32 $0x1  }
0xc3: {  	_ =	sfence.sel $0xFFFF  }
0xc4: {  	[dreg:$0x0] =	wrdreg $0xFFFFFFFF;
	(pc) =	sbr.abs _section_cstart, $3  }
0xc5: {  	[dreg:$0x1] =	wrdreg $0xFFFFFFFF  }
0xc6: {  	_ =	task.clear_ibuf [dreg:s9], $0x2FFFF;
	_ =	strace $0x9FFFFFFF  }
0xc7: {  	(tm) =	ssettm $0x7FFFFFFF  }
tec
execute0_lowered:
.L_overlay_start_1:
0x0: {  	(tag) =	ssettag $0x1  }
0x1: {  	s1 =	rddreg [dreg:$0x0]  }
0x2: {  	s13 =	rddreg [dreg:$0x1]  }
0x3: {  	s0 =	rddreg [dreg:$0x2]  }
0x4: {  	s2 =	rddreg [dreg:$0x3]  }
0x5: {  	s3 =	rddreg [dreg:$0x4];
	s5 =	srdreg.scid;
	s4 =	simm.s32 $0x0  }
0x6: {  	s17 =	stileid.u32;
	s29 =	simm.s32 $0x13C80;
	s31 =	simm.s32 $0x2  }
0x7: {  	s11 =	sand.u32 $0x1, s5;
	[smem:$0x7FF] =	sst s4;
	s6 =	sadd.s32 $0x600, s0  }
0x8: {  	s7 =	sadd.s32 $0xD600, s0;
	p4 =	sne.s32 s17, $0xF;
	p0 =	seq.s32 s17, $0xF  }
0x9: {  	s10 =	smul.u32 $0x4F000, s17;
	s12 =	sadd.s32 $0x128400, s3;
	s8 =	ssub.s32 $0x2, s11  }
0xa: {  	_ =	strace $0x80000047;
	s5 =	sshll.u32 s11, $0x4;
	p2 =	seq.s32 s11, $0x0  }
0xb: {  	[dreg:$0x6] =	wrdreg s12;
	s12 =	smul.u32 $0x2780, s17;
	p3 =	seq.s32 s11, $0x1  }
0xc: {  	s11 =	smul.u32 $0x138800, s11;
	s9 =	sshrl.u32 s8, $0x1;
	p1 =	por !p2, !p4  }
0xd: {  	p2 =	por !p2, !p0;
	s10 =	sshrl.u32 s10, $0x2;
	p4 =	por !p4, !p3  }
0xe: {  	s0 =	ssub.s32 s8, s9;
	s8 =	sor.u32 s17, s5;
	p1 =	por !p1, !p1  }
0xf: {  	p2 =	por !p2, !p2;
	s10 =	sadd.s32 s10, s3;
	s14 =	sadd.s32 s1, s12  }
0x10: {  	s15 =	sadd.s32 s13, s12;
	s5 =	simm.s32 @!p2 $0x0;
	[dreg:$0x7] =	wrdreg s14  }
0x11: {  	s9 =	smul.u32 $0x3400, s8;
	[dreg:$0x8] =	wrdreg s15;
	s0 =	smax.u32 s0, $0x1  }
0x12: {  	s15 =	smul.u32 $0x13C00, s17;
	s5 =	simm.s32 @p2 $0x1;
	[dreg:$0x13] =	wrdreg s0  }
0x13: {  	p4 =	por !p4, !p4;
	s0 =	simm.s32 $0x17080;
	[smem:$0x7FD] =	sst s5  }
0x14: {  	s16 =	sshrl.u32 s9, $0x3;
	s25 =	sadd.s32 s15, s11;
	s11 =	sshrl.u32 s11, $0x3  }
0x15: {  	s18 =	sadd.s32 s6, s16;
	s19 =	sadd.s32 s7, s16;
	s20 =	sor.u32 $0x10, s16  }
0x16: {  	s14 =	sor.u32 $0x20, s16;
	s12 =	sor.u32 $0x30, s16;
	[dreg:$0x9] =	wrdreg s18  }
0x17: {  	s13 =	sshrl.u32 s25, $0x3;
	[dreg:$0xa] =	wrdreg s19;
	s21 =	sadd.s32 s6, s20  }
0x18: {  	s22 =	sadd.s32 s7, s20;
	s23 =	sadd.s32 s6, s14;
	[dreg:$0xb] =	wrdreg s21  }
0x19: {  	s24 =	sadd.s32 s7, s14;
	s26 =	sadd.s32 s6, s12;
	[dreg:$0xc] =	wrdreg s22  }
0x1a: {  	s28 =	sadd.s32 s7, s12;
	s30 =	sadd.s32 s2, s13;
	[dreg:$0xd] =	wrdreg s23  }
.Ltmp0:
0x1b: {  	s2 =	sadd.s32 s2, s11;
	[dreg:$0xe] =	wrdreg s24;
	(pc) =	sbr.rel .LBB2_1-.Ltmp0, $4  }
0x1c: {  	s11 =	simm.s32 $0x1;
	s12 =	simm.s32 $0x5;
	[dreg:$0xf] =	wrdreg s26  }
0x1d: {  	s13 =	simm.s32 $0x6;
	s14 =	simm.s32 $0x0;
	[dreg:$0x10] =	wrdreg s28  }
0x1e: {  	[dreg:$0x11] =	wrdreg s30;
	s2 =	sadd.s32 $0x25080, s2;
	s24 =	simm.s32 $0x8  }
0x1f: {  	s26 =	simm.s32 $0x64;
	[dreg:$0x12] =	wrdreg s2;
	s2 =	simm.s32 $0x3  }
.LBB2_12:
0x20: {  	s17 =	stileid.u32  }
0x21: {  	[bflag:$0x0] =	sbarrier.arrive $0xFFFF;
	s5 =	sshll.u32 @!p0 s17, $0x6  }
0x22: {  	s8 =	sshrl.u32 @!p0 s10, $0x3;
	s15 =	rddreg [dreg:$0x11];
	s5 =	sor.u32 @!p0 $0x1C08, s5  }
0x23: {  	[hbm:s15], [sflag:s5] =	dma.local @!p0 [spmem:s8], $0x2780  }
0x24: {  	s5 =	simm.s32 @!p0 $0x8  }
0x25: {  	_ =	swait.ge @!p0 [sflag:s5], $0x2780  }
0x26: {  	s8 =	sshll.u32 @p5 s17, $0x6;
	[sflag:s5] =	ssyncset.done @!p0 $0x0  }
0x27: {  	[sflag:s5] =	ssyncadd.s32 @!p0 $0xFFFFD880;
	s5 =	sor.u32 @p5 $0x1C08, s8;
	s8 =	rddreg [dreg:$0x6]  }
0x28: {  	s15 =	rddreg [dreg:$0x12];
	s8 =	sshrl.u32 @p5 s8, $0x3  }
0x29: {  	[hbm:s15], [sflag:s5] =	dma.local @p5 [spmem:s8], $0x2080  }
0x2a: {  	s5 =	simm.s32 @p5 $0x8  }
0x2b: {  	_ =	swait.ge @p5 [sflag:s5], $0x2080  }
0x2c: {  	s14 =	sadd.s32 $0x1, s14;
	s30 =	rddreg [dreg:$0x13]  }
0x2d: {  	p2 =	sne.s32 s14, s30  }
.Ltmp1:
0x2e: {  	_ = 	snop;
	(pc) =	sbr.rel @!p2 .LBB2_13-.Ltmp1, $3  }
0x2f: {  	_ =	sdelay $0x1  }
0x30: {  	[sflag:s5] =	ssyncset.done @p5 $0x0  }
0x31: {  	[sflag:s5] =	ssyncadd.s32 @p5 $0xFFFFDF80  }
.LBB2_1:
.Ltmp2:
0x32: {  	(pc) =	sbr.rel @!p1 .LBB2_4-.Ltmp2, $1  }
0x33: {  	_ =	sdelay $0x3  }
0x34: {  	s15 =	sshll.u32 s17, $0x6;
	s16 =	sshrl.u32 s10, $0x3  }
.Ltmp3:
0x35: {  	s5 =	rddreg [dreg:$0x7];
	s15 =	sor.u32 $0x1C08, s15;
	(pc) =	sbr.rel .LBB2_3-.Ltmp3, $4  }
0x36: {  	[spmem:s16], [sflag:s15] =	dma.local [hbm:s5], $0x2780  }
0x37: {  	_ =	swait.ge [sflag:s24], $0x2780  }
0x38: {  	[sflag:s24] =	ssyncset.done $0x0  }
0x39: {  	p5 =	por $0x0, $0x0;
	[sflag:s24] =	ssyncadd.s32 $0xFFFFD880  }
.LBB2_4:
0x3a: {  	s5 =	sld [smem:$0x7FD];
	_ =	sdelay $0x2  }
0x3b: {  	p2 =	seq.s32 s5, $0x1  }
.Ltmp4:
0x3c: {  	_ = 	snop;
	(pc) =	sbr.rel @!p2 .LBB2_3-.Ltmp4, $2  }
0x3d: {  	_ =	sdelay $0x2  }
0x3e: {  	p5 =	por p0, p0  }
.Ltmp5:
0x3f: {  	(pc) =	sbr.rel .LBB2_6-.Ltmp5, $2  }
0x40: {  	_ =	sdelay $0x2  }
0x41: {  	p5 =	por $0x1, $0x1;
	s16 =	simm.s32 $0xF;
	s15 =	smov.u32 s1  }
.LBB2_3:
0x42: {  	s15 =	sshll.u32 @p4 s17, $0x6;
	s16 =	sshrl.u32 @p4 s10, $0x3;
	p6 =	por @p4 $0x1, $0x1  }
0x43: {  	s5 =	rddreg [dreg:$0x8];
	s15 =	sor.u32 @p4 $0x1C08, s15;
	p6 =	por @!p4 p3, p3  }
0x44: {  	[spmem:s16], [sflag:s15] =	dma.local @p4 [hbm:s5], $0x2780  }
0x45: {  	p6 =	por !p6, !p5  }
0x46: {  	p6 =	por !p6, !p6  }
.Ltmp6:
0x47: {  	s15 =	simm.s32 @p4 $0x8;
	(pc) =	sbr.rel @!p6 .LBB2_7-.Ltmp6, $4  }
0x48: {  	_ =	swait.ge @p4 [sflag:s15], $0x2780  }
0x49: {  	[sflag:s15] =	ssyncset.done @p4 $0x0  }
0x4a: {  	[sflag:s15] =	ssyncadd.s32 @p4 $0xFFFFD880  }
0x4b: {  	s16 =	stileid.u32;
	s15 =	rddreg [dreg:$0x1]  }
.LBB2_6:
0x4c: {  	s16 =	sshll.u32 s16, $0x6;
	s5 =	rddreg [dreg:$0x6]  }
0x4d: {  	s15 =	sadd.s32 $0x25080, s15;
	s16 =	sor.u32 $0x1C08, s16;
	s17 =	sshrl.u32 s5, $0x3  }
0x4e: {  	[spmem:s17], [sflag:s16] =	dma.local [hbm:s15], $0x2080  }
0x4f: {  	_ =	swait.ge [sflag:s24], $0x2080  }
0x50: {  	[sflag:s24] =	ssyncset.done $0x0  }
0x51: {  	[sflag:s24] =	ssyncadd.s32 $0xFFFFDF80  }
.LBB2_7:
0x52: {  	[bflag:$0x0] =	sbarrier.arrive $0xFFFF  }
0x53: {  	s15 =	simm.s32 $0x0;
	s8 =	simm.s32 $0x13880;
	s5 =	rddreg [dreg:$0x9]  }
0x54: {  	[tilespmem:s8], [sflag:$0x1] =	stream.linear.gather [hbm4b:s5+s15], $0x80, $0x38;
	[tilespmem:$0x1D880] =	vst v63  }
0x55: {  	s16 =	simm.s32 $0x13A80;
	s25 =	rddreg [dreg:$0xa]  }
0x56: {  	[tilespmem:s16], [sflag:$0x1] =	stream.linear.gather [hbm4b:s25+s15], $0x80, $0x38;
	[tilespmem:$0x1D880] =	vst v63  }
0x57: {  	s30 =	simm.s32 $0x13900;
	s28 =	rddreg [dreg:$0xb]  }
0x58: {  	[tilespmem:s30], [sflag:$0x2] =	stream.linear.gather [hbm4b:s28+s15], $0x80, $0x38;
	[tilespmem:$0x1D880] =	vst v63  }
0x59: {  	s17 =	simm.s32 $0x13B00;
	s18 =	rddreg [dreg:$0xc]  }
0x5a: {  	[tilespmem:s17], [sflag:$0x2] =	stream.linear.gather [hbm4b:s18+s15], $0x80, $0x38;
	[tilespmem:$0x1D880] =	vst v63  }
0x5b: {  	s20 =	simm.s32 $0x13980;
	s19 =	rddreg [dreg:$0xd]  }
0x5c: {  	[tilespmem:s20], [sflag:$0x3] =	stream.linear.gather [hbm4b:s19+s15], $0x80, $0x38;
	[tilespmem:$0x1D880] =	vst v63  }
0x5d: {  	s21 =	rddreg [dreg:$0xe];
	s18 =	simm.s32 $0x13B80  }
0x5e: {  	[tilespmem:s18], [sflag:$0x3] =	stream.linear.gather [hbm4b:s21+s15], $0x80, $0x38;
	[tilespmem:$0x1D880] =	vst v63  }
0x5f: {  	s23 =	simm.s32 $0x13A00;
	s22 =	rddreg [dreg:$0xf]  }
0x60: {  	[tilespmem:s23], [sflag:$0x4] =	stream.linear.gather [hbm4b:s22+s15], $0x80, $0x38;
	[tilespmem:$0x1D880] =	vst v63  }
0x61: {  	s25 =	rddreg [dreg:$0x10];
	s28 =	simm.s32 $0x13C00  }
0x62: {  	[tilespmem:s28], [sflag:$0x4] =	stream.linear.gather [hbm4b:s25+s15], $0x80, $0x38;
	[tilespmem:$0x1D880] =	vst v63  }
0x63: {  	_ =	swait.ge [sflag:s11], $0x80  }
0x64: {  	[sflag:s11] =	ssyncset.done $0x0  }
0x65: {  	[sflag:s11] =	ssyncadd.s32 $0xFFFFFF80  }
0x66: {  	_ =	swait.ge [sflag:s11], $0x80  }
0x67: {  	[sflag:s11] =	ssyncset.done $0x0  }
0x68: {  	[sflag:s11] =	ssyncadd.s32 $0xFFFFFF80  }
0x69: {  	[tilespmem:s29], [sflag:$0x5] =	stream.indirect.gather [hbm4b:s1+s26], $0x80, s8, s26, $0xb8;
	[tilespmem:$0x1D880] =	vst v63  }
0x6a: {  	_ =	swait.ge [sflag:s31], $0x80  }
0x6b: {  	[sflag:s31] =	ssyncset.done $0x0  }
0x6c: {  	[sflag:s31] =	ssyncadd.s32 $0xFFFFFF80  }
0x6d: {  	_ =	swait.ge [sflag:s31], $0x80  }
0x6e: {  	[sflag:s31] =	ssyncset.done $0x0  }
0x6f: {  	[sflag:s31] =	ssyncadd.s32 $0xFFFFFF80  }
0x70: {  	[tilespmem:s0], [sflag:$0x6] =	stream.indirect.gather [hbm4b:s1+s26], $0x80, s30, s26, $0xb8;
	[tilespmem:$0x1D880] =	vst v63  }
0x71: {  	_ =	swait.ge [sflag:s2], $0x80  }
0x72: {  	[sflag:s2] =	ssyncset.done $0x0  }
.Ltmp7:
0x73: {  	[sflag:s2] =	ssyncadd.s32 $0xFFFFFF80;
	(pc) =	sbr.rel .LBB2_8-.Ltmp7, $4  }
0x74: {  	_ =	swait.ge [sflag:s2], $0x80  }
0x75: {  	s16 =	simm.s32 $0x300;
	[sflag:s2] =	ssyncset.done $0x0  }
0x76: {  	s17 =	simm.s32 $0x0;
	s30 =	simm.s32 $0x1A480;
	[sflag:s2] =	ssyncadd.s32 $0xFFFFFF80  }
0x77: {  	[tilespmem:s30], [sflag:$0x7] =	stream.indirect.gather [hbm4b:s1+s26], $0x80, s20, s26, $0xb8;
	[tilespmem:$0x1D880] =	vst v63  }
.LBB2_9:
0x78: {  	s21 =	sadd.s32 $0xFFFFFF00, s16  }
0x79: {  	s25 =	sand.u32 $0x7C00, s21  }
0x7a: {  	s21 =	sand.u32 $0x380, s21;
	s25 =	sadd.s32 s9, s25  }
0x7b: {  	s21 =	sor.u32 s21, s25  }
0x7c: {  	s21 =	sshrl.u32 s21, $0x3  }
0x7d: {  	s30 =	sadd.s32 $0x1, s18;
	s22 =	sadd.s32 $0x13880, s20;
	s28 =	sadd.s32 s6, s21  }
0x7e: {  	[tilespmem:s22], [sflag:s30] =	stream.linear.gather [hbm4b:s28+s4], $0x80, $0x38;
	[tilespmem:$0x1D880] =	vst v63  }
0x7f: {  	s21 =	sadd.s32 s7, s21  }
0x80: {  	[tilespmem:s19], [sflag:s30] =	stream.linear.gather [hbm4b:s21+s4], $0x80, $0x38;
	[tilespmem:$0x1D880] =	vst v63  }
.LBB2_11:
0x81: {  	s19 =	sadd.s32 $0xFFFFFFFF, s15  }
0x82: {  	s19 =	sand.u32 $0x3, s19  }
0x83: {  	s21 =	sadd.s32 $0x1, s19  }
0x84: {  	_ =	swait.ge [sflag:s21], $0x80  }
0x85: {  	[sflag:s21] =	ssyncset.done $0x0  }
0x86: {  	[sflag:s21] =	ssyncadd.s32 $0xFFFFFF80  }
0x87: {  	_ =	swait.ge [sflag:s21], $0x80  }
0x88: {  	s19 =	sshll.u32 s19, $0x7;
	[sflag:s21] =	ssyncset.done $0x0  }
0x89: {  	s30 =	sadd.s32 $0x1, s15;
	s19 =	sadd.s32 $0x13880, s19;
	[sflag:s21] =	ssyncadd.s32 $0xFFFFFF80  }
0x8a: {  	[tilespmem:s29], [sflag:$0x5] =	stream.indirect.gather [hbm4b:s1+s26], $0x80, s19, s26, $0xb8;
	[tilespmem:$0x1D880] =	vst v63  }
0x8b: {  	s19 =	sand.u32 $0x3, s30;
	_ =	swait.ge [sflag:s13], $0x3200  }
0x8c: {  	s21 =	sshll.u32 s19, $0x7;
	[sflag:s13] =	ssyncset.done $0x0  }
0x8d: {  	s22 =	sadd.s32 $0x13A80, s21;
	[sflag:s13] =	ssyncadd.s32 $0xFFFFCE00  }
0x8e: {  	[spmem:s3] =	stream.indirect.scatter.add.f32 [tilespmem:s0], [sflag:$0x8], $0x80, s22, s26, $0xb8;
	[tilespmem:$0x1D880] =	vst v63  }
0x8f: {  	_ =	swait.ge [sflag:s24], $0x3200  }
0x90: {  	[sflag:s24] =	ssyncset.done $0x0  }
0x91: {  	s25 =	simm.s32 @p6 $0x7;
	[sflag:s24] =	ssyncadd.s32 $0xFFFFCE00  }
0x92: {  	_ =	swait.ge @p6 [sflag:s25], $0x3200  }
0x93: {  	s20 =	sxor.u32 @p6 $0x100, s20;
	s28 =	simm.s32 @p6 $0x1A480;
	[sflag:s25] =	ssyncset.done @p6 $0x0  }
0x94: {  	s20 =	sadd.s32 @p6 $0x13A80, s20;
	[sflag:s25] =	ssyncadd.s32 @p6 $0xFFFFCE00;
	s25 =	simm.s32 @p6 $0x64  }
0x95: {  	[spmem:s3] =	stream.indirect.scatter.add.f32 @p6 [tilespmem:s28], [sflag:$0x8], $0x80, s20, s25, $0xb8;
	[tilespmem:$0x1D880] =	vst v63  }
0x96: {  	s20 =	sadd.s32 @!p6 $0xFFFFFF80, s16  }
0x97: {  	s28 =	sand.u32 @!p6 $0x7C00, s20  }
0x98: {  	s25 =	simm.s32 @p6 $0x8;
	s20 =	sand.u32 @!p6 $0x380, s20;
	s28 =	sadd.s32 @!p6 s9, s28  }
0x99: {  	s23 =	simm.s32 @!p6 $0x0;
	_ =	swait.ge @p6 [sflag:s25], $0x3200;
	s20 =	sor.u32 @!p6 s20, s28  }
0x9a: {  	s21 =	sadd.s32 @!p6 $0x13880, s21;
	[sflag:s25] =	ssyncset.done @p6 $0x0;
	s20 =	sshrl.u32 @!p6 s20, $0x3  }
0x9b: {  	[sflag:s25] =	ssyncadd.s32 @p6 $0xFFFFCE00;
	s25 =	sadd.s32 @!p6 $0x1, s19;
	s28 =	sadd.s32 @!p6 s6, s20  }
0x9c: {  	[tilespmem:s21], [sflag:s25] =	stream.linear.gather @!p6 [hbm4b:s28+s23], $0x80, $0x38;
	[tilespmem:$0x1D880] =	vst v63  }
0x9d: {  	s20 =	sadd.s32 @!p6 s7, s20  }
0x9e: {  	[tilespmem:s22], [sflag:s25] =	stream.linear.gather @!p6 [hbm4b:s20+s23], $0x80, $0x38;
	[tilespmem:$0x1D880] =	vst v63  }
0x9f: {  	s20 =	sadd.s32 @!p6 $0x1, s18  }
0xa0: {  	_ =	swait.ge @!p6 [sflag:s20], $0x80  }
0xa1: {  	[sflag:s20] =	ssyncset.done @!p6 $0x0  }
0xa2: {  	[sflag:s20] =	ssyncadd.s32 @!p6 $0xFFFFFF80  }
0xa3: {  	s21 =	sshll.u32 @!p6 s18, $0x7;
	_ =	swait.ge @!p6 [sflag:s20], $0x80  }
0xa4: {  	s21 =	sadd.s32 @!p6 $0x13880, s21;
	[sflag:s20] =	ssyncset.done @!p6 $0x0  }
0xa5: {  	s22 =	simm.s32 @!p6 $0x17080;
	[sflag:s20] =	ssyncadd.s32 @!p6 $0xFFFFFF80;
	s20 =	simm.s32 @!p6 $0x64  }
0xa6: {  	[tilespmem:s22], [sflag:$0x6] =	stream.indirect.gather @!p6 [hbm4b:s1+s20], $0x80, s21, s20, $0xb8;
	[tilespmem:$0x1D880] =	vst v63  }
0xa7: {  	s8 =	sand.u32 @!p6 $0x7C00, s16;
	s5 =	sand.u32 @!p6 $0x380, s16;
	s21 =	simm.s32 @!p6 $0x7  }
0xa8: {  	s8 =	sadd.s32 @!p6 s9, s8;
	s18 =	sxor.u32 @!p6 $0x2, s18;
	_ =	swait.ge @!p6 [sflag:s21], $0x3200  }
0xa9: {  	s30 =	simm.s32 @!p6 $0x8;
	s22 =	sshll.u32 @!p6 s18, $0x7;
	[sflag:s21] =	ssyncset.done @!p6 $0x0  }
0xaa: {  	s28 =	simm.s32 @!p6 $0x1A480;
	[sflag:s21] =	ssyncadd.s32 @!p6 $0xFFFFCE00;
	s21 =	sadd.s32 @!p6 $0x13A80, s22  }
0xab: {  	[spmem:s3] =	stream.indirect.scatter.add.f32 @!p6 [tilespmem:s28], [sflag:$0x8], $0x80, s21, s20, $0xb8;
	[tilespmem:$0x1D880] =	vst v63  }
0xac: {  	s5 =	sor.u32 @!p6 s5, s8;
	_ =	swait.ge @!p6 [sflag:s30], $0x3200  }
0xad: {  	s5 =	sshrl.u32 @!p6 s5, $0x3;
	s8 =	sadd.s32 @!p6 $0x1, s18;
	[sflag:s30] =	ssyncset.done @!p6 $0x0  }
0xae: {  	s18 =	sadd.s32 @!p6 $0x13880, s22;
	s22 =	sadd.s32 @!p6 s6, s5;
	[sflag:s30] =	ssyncadd.s32 @!p6 $0xFFFFCE00  }
0xaf: {  	[tilespmem:s18], [sflag:s8] =	stream.linear.gather @!p6 [hbm4b:s22+s23], $0x80, $0x38;
	[tilespmem:$0x1D880] =	vst v63  }
0xb0: {  	s5 =	sadd.s32 @!p6 s7, s5  }
0xb1: {  	[tilespmem:s21], [sflag:s8] =	stream.linear.gather @!p6 [hbm4b:s5+s23], $0x80, $0x38;
	[tilespmem:$0x1D880] =	vst v63  }
0xb2: {  	s16 =	sadd.s32 $0x180, s16;
	_ =	swait.ge @!p6 [sflag:s25], $0x80  }
0xb3: {  	p2 =	sne.s32 s16, $0x3600;
	[sflag:s25] =	ssyncset.done @!p6 $0x0  }
.Ltmp8:
0xb4: {  	[sflag:s25] =	ssyncadd.s32 @!p6 $0xFFFFFF80;
	(pc) =	sbr.rel @!p2 .LBB2_12-.Ltmp8, $4  }
0xb5: {  	_ =	swait.ge @!p6 [sflag:s25], $0x80  }
0xb6: {  	s17 =	sadd.s32 $0x1, s17;
	s5 =	sshll.u32 @!p6 s19, $0x7;
	[sflag:s25] =	ssyncset.done @!p6 $0x0  }
0xb7: {  	s15 =	sadd.s32 $0x3, s15;
	s5 =	sadd.s32 @!p6 $0x13880, s5;
	[sflag:s25] =	ssyncadd.s32 @!p6 $0xFFFFFF80  }
0xb8: {  	[tilespmem:s28], [sflag:$0x7] =	stream.indirect.gather @!p6 [hbm4b:s1+s20], $0x80, s5, s20, $0xb8;
	[tilespmem:$0x1D880] =	vst v63  }
.LBB2_8:
0xb9: {  	s18 =	sand.u32 $0x3, s15;
	_ =	swait.ge [sflag:s12], $0x3200  }
0xba: {  	p6 =	sgt.u32 s17, $0x1F;
	[sflag:s12] =	ssyncset.done $0x0;
	s20 =	sshll.u32 s18, $0x7  }
.Ltmp9:
0xbb: {  	[sflag:s12] =	ssyncadd.s32 $0xFFFFCE00;
	s19 =	sadd.s32 $0x13A80, s20;
	(pc) =	sbr.rel @!p6 .LBB2_9-.Ltmp9, $4  }
0xbc: {  	[spmem:s3] =	stream.indirect.scatter.add.f32 [tilespmem:s29], [sflag:$0x8], $0x80, s19, s26, $0xb8;
	[tilespmem:$0x1D880] =	vst v63  }
0xbd: {  	_ =	swait.ge [sflag:s24], $0x3200  }
0xbe: {  	[sflag:s24] =	ssyncset.done $0x0  }
0xbf: {  	[sflag:s24] =	ssyncadd.s32 $0xFFFFCE00  }
0xc0: {  	p2 =	seq.s32 s16, $0x3480  }
.Ltmp10:
0xc1: {  	_ = 	snop;
	(pc) =	sbr.rel @!p2 .LBB2_11-.Ltmp10, $4  }
.Ltmp11:
0xc2: {  	_ = 	snop;
	(pc) =	sbr.rel @p2 .LBB2_12-.Ltmp11, $4  }
0xc3: {  	_ = 	snop  }
0xc4: {  	_ = 	snop  }
0xc5: {  	_ = 	snop  }
0xc6: {  	_ = 	snop  }
.LBB2_13:
0xc7: {  	_ =	sfence.sel $0x180000  }
0xc8: {  	[bflag:$0x0] =	sbarrier.arrive $0xFFFF  }
0xc9: {  	_ =	strace $0x90000047  }
0xca: {  	[bflag:$0x2] =	sbarrier.arrive $0xFFFF  }
0xcb: {  	p0 =	sne.s32 s17, $0x0;
	s0 =	rddreg [dreg:$0x5]  }
0xcc: {  	s0 =	sadd.s32 @!p0 $0x100000, s0  }
0xcd: {  	[sflag:s0] =	ssyncadd.tile.s32 @!p0 $0x1;
	_ =	shalt  }
.Lfunc_end2:
_tile_overlayer_lowered:
.L_overlay_start_2:
0xce: {  	(tag) =	ssettag $0x2  }
0xcf: {  	s0 =	rddreg [dreg:$0x0];
	s2 =	stileid.u32  }
0xd0: {  	s1 =	rddreg [dreg:$0x1];
	p0 =	sne.s32 s2, $0x0  }
0xd1: {  	s3 =	rddreg [dreg:$0x2];
	[bflag:$0x3] =	sbarrier.arrive $0xFFFF;
	s2 =	simm.s32 @!p0 $0x1C08  }
0xd2: {  	[timem:s3], [sflag:s2] =	dma.local @!p0 [hbm:s0], s1  }
0xd3: {  	s0 =	simm.s32 @!p0 $0x8  }
0xd4: {  	_ =	swait.ge @!p0 [sflag:s0], s1  }
0xd5: {  	s1 =	ssub.s32 @!p0 $0x0, s1;
	[sflag:s0] =	ssyncset.done @!p0 $0x0  }
0xd6: {  	[sflag:s0] =	ssyncadd.s32 @!p0 s1  }
0xd7: {  	[bflag:$0x3] =	sbarrier.arrive $0xFFFF  }
0xd8: {  	_ =	shalt  }

</sc_bundles>
